<compile_context>
chip_gen: v7x
topology: tpu7x:2x2x1
jax: 0.10.2.dev20260603
libtpu: 0.0.44.dev20260713+nightly
codegen_flags: <defaults>
</compile_context>

<pallas_src>
import functools
import math

import jax
import jax.numpy as jnp
from jax import lax
from jax.experimental import pallas as pl
from jax.experimental.pallas import tpu as pltpu
from jax.experimental.pallas import tpu_sc as plsc

D_MODEL = 768
B_TOTAL = 1024 * 200

_info = plsc.get_sparse_core_info()
_NC, _NS = _info.num_cores, _info.num_subcores
_NW = _NC * _NS
_B_PER_W = B_TOTAL // _NW
_NB = 4
_CHUNK = 40
_N_CHUNKS = _B_PER_W // _CHUNK


@functools.partial(
    pl.kernel,
    mesh=plsc.VectorSubcoreMesh(core_axis_name="c", subcore_axis_name="s"),
    out_type=jax.ShapeDtypeStruct((B_TOTAL, D_MODEL), jnp.float32),
    scratch_types=(
        [pltpu.VMEM((_B_PER_W,), jnp.int32)]
        + [pltpu.VMEM((_CHUNK, D_MODEL), jnp.float32) for _ in range(_NB)]
        + [pltpu.SemaphoreType.DMA for _ in range(2 * _NB)]
    ),
)
def _gather_kernel(idx_hbm, table_hbm, out_hbm, idx_v, *scratch):
    bufs = scratch[:_NB]
    gsems = scratch[_NB : 2 * _NB]
    osems = scratch[2 * _NB : 3 * _NB]

    wid = lax.axis_index("s") * _NC + lax.axis_index("c")
    base = wid * _B_PER_W
    pltpu.sync_copy(idx_hbm.at[pl.ds(base, _B_PER_W)], idx_v)

    def off_of(c):
        return pl.multiple_of(c * _CHUNK, math.gcd(_CHUNK, 8))

    def gather(c, b):
        return pltpu.make_async_copy(
            table_hbm.at[idx_v.at[pl.ds(off_of(c), _CHUNK)]], bufs[b], gsems[b]
        )

    def out(c, b):
        return pltpu.make_async_copy(
            bufs[b], out_hbm.at[pl.ds(base + off_of(c), _CHUNK)], osems[b]
        )

    gather(0, 0).start()
    for c in range(_NB - 1):
        gather(c, c).wait()
        out(c, c).start()
        gather(c + 1, c + 1).start()

    def group(g, carry):
        for j in range(_NB):
            c = (_NB - 1) + g * _NB + j
            b = (_NB - 1 + j) % _NB
            bn = (b + 1) % _NB
            gather(c, b).wait()
            out(c, b).start()
            out(c + 1 - _NB, bn).wait()
            gather(c + 1, bn).start()
        return carry

    lax.fori_loop(0, (_N_CHUNKS - _NB) // _NB, group, 0)

    c_last = _N_CHUNKS - 1
    b_last = c_last % _NB
    gather(c_last, b_last).wait()
    out(c_last, b_last).start()
    for k in range(_NB):
        c = _N_CHUNKS - _NB + k
        out(c, c % _NB).wait()


def kernel(token_ids, embeddings):
    idx = token_ids.reshape(-1).astype(jnp.int32)
    out = _gather_kernel(idx, embeddings)
    return out.reshape(token_ids.shape + (D_MODEL,))

# --- scband reference (transcript-rebuilt; emitter-appended) ---
"""Pipeline reference for scband-golden-embedding-85658827751543 (READ-ONLY COPY).

The authoritative reference and input builder live on the scoring server;
editing this copy changes nothing except your own understanding.
"""

import jax, jax.numpy as jnp
import numpy as np

VOCAB = 1000
D_MODEL = 768
PHI = (1 + np.sqrt(5)) / 2


def _golden_embeddings():
    i = np.arange(VOCAB, dtype=np.float64)[:, None]
    j = np.arange(D_MODEL, dtype=np.float64)[None, :]
    theta = 2 * np.pi * i / PHI
    phi = 2 * np.pi * j / PHI
    r = np.sqrt(i + 1) / np.sqrt(VOCAB)
    emb = r * np.cos(theta + phi)
    # F.normalize(dim=-1): divide each row by its L2 norm (eps=1e-12)
    norm = np.sqrt(np.sum(emb * emb, axis=-1, keepdims=True))
    emb = emb / np.maximum(norm, 1e-12)
    return jnp.asarray(emb, dtype=jnp.float32)


def setup_inputs(seed: int = 0) -> dict:
    key = jax.random.key(seed)
    k1, _ = jax.random.split(key)
    token_ids = jax.random.randint(k1, (1024, 200), 0, VOCAB, dtype=jnp.int64 if jax.config.jax_enable_x64 else jnp.int32)
    embeddings = _golden_embeddings()
    return {"token_ids": token_ids, "embeddings": embeddings}


def reference(token_ids, embeddings):
    # F.embedding -> row gather from the table
    return jnp.take(embeddings, token_ids, axis=0)

if __name__ == "__main__":
    import jax
    _d = setup_inputs()
    print(jax.jit(kernel)(*tuple(_d.values())))

</pallas_src>

<mosaic_0001>
#map = affine_map<(d0, d1) -> (0)>
#map1 = affine_map<(d0, d1) -> (0, 0)>
module attributes {stable_mosaic.version = 14 : i64} {
  func.func @_gather_kernel(%arg0: i32, %arg1: i32, %arg2: memref<204800xi32, #tpu.memory_space<hbm>>, %arg3: memref<1000x768xf32, #tpu.memory_space<hbm>>, %arg4: memref<204800x768xf32, #tpu.memory_space<hbm>>, %arg5: memref<6400xi32, #tpu.memory_space<vmem>>, %arg6: memref<40x768xf32, #tpu.memory_space<vmem>>, %arg7: memref<40x768xf32, #tpu.memory_space<vmem>>, %arg8: memref<40x768xf32, #tpu.memory_space<vmem>>, %arg9: memref<40x768xf32, #tpu.memory_space<vmem>>, %arg10: memref<!tpu.dma_semaphore, #tpu.memory_space<semaphore_mem>>, %arg11: memref<!tpu.dma_semaphore, #tpu.memory_space<semaphore_mem>>, %arg12: memref<!tpu.dma_semaphore, #tpu.memory_space<semaphore_mem>>, %arg13: memref<!tpu.dma_semaphore, #tpu.memory_space<semaphore_mem>>, %arg14: memref<!tpu.dma_semaphore, #tpu.memory_space<semaphore_mem>>, %arg15: memref<!tpu.dma_semaphore, #tpu.memory_space<semaphore_mem>>, %arg16: memref<!tpu.dma_semaphore, #tpu.memory_space<semaphore_mem>>, %arg17: memref<!tpu.dma_semaphore, #tpu.memory_space<semaphore_mem>>) attributes {dimension_semantics = [#tpu.dimension_semantics<core_parallel>, #tpu.dimension_semantics<subcore_parallel>], iteration_bounds = array<i64: 2, 16>, scalar_prefetch = 0 : i64, scratch_operands = 13 : i64, tpu.core_type = #tpu.core_type<sc_vector_subcore>, window_params = [{transform_indices = #map}, {transform_indices = #map1}, {transform_indices = #map1}]} {
    %mul3A = arith.constant 2 : i32
    %mul3A_0 = arith.muli %arg1, %mul3A : i32
    %add3A = arith.addi %mul3A_0, %arg0 : i32
    %mul3A_1 = arith.constant 6400 : i32
    %mul3A_2 = arith.muli %add3A, %mul3A_1 : i32
    "tpu.region"() ({
      %run_scoped3A = tpu.sem_alloc : memref<!tpu.dma_semaphore, #tpu.memory_space<semaphore_mem>>
      %dma_start3A_109 = tpu.memref_slice %arg2[%mul3A_2] : memref<204800xi32, #tpu.memory_space<hbm>> -> memref<6400xi32, #tpu.memory_space<hbm>>
      %dma_start3A_110 = tpu.memref_slice %arg2[%mul3A_2] : memref<204800xi32, #tpu.memory_space<hbm>> -> memref<6400xi32, #tpu.memory_space<hbm>>
      tpu.enqueue_dma source(%dma_start3A_110 : memref<6400xi32, #tpu.memory_space<hbm>>) target(%arg5 : memref<6400xi32, #tpu.memory_space<vmem>>) target_semaphore(%run_scoped3A : memref<!tpu.dma_semaphore, #tpu.memory_space<semaphore_mem>>)
      %dma_wait3A_111 = tpu.memref_slice %arg2[%mul3A_2] : memref<204800xi32, #tpu.memory_space<hbm>> -> memref<6400xi32, #tpu.memory_space<hbm>>
      %dma_wait3A_112 = tpu.memref_slice %arg2[%mul3A_2] : memref<204800xi32, #tpu.memory_space<hbm>> -> memref<6400xi32, #tpu.memory_space<hbm>>
      tpu.wait_dma2 semaphore(%run_scoped3A : memref<!tpu.dma_semaphore, #tpu.memory_space<semaphore_mem>>) src(%dma_wait3A_112 : memref<6400xi32, #tpu.memory_space<hbm>>) dst(%arg5 : memref<6400xi32, #tpu.memory_space<vmem>>)
      tpu.yield
    }) : () -> ()
    %multiple_of3A = arith.constant 0 : i32
    %multiple_of3A_3 = tpu.assume_multiple %multiple_of3A, 8 : i32
    %dma_start3A = tpu.memref_slice %arg5[%multiple_of3A_3] : memref<6400xi32, #tpu.memory_space<vmem>> -> memref<40xi32, #tpu.memory_space<vmem>>
    %dma_start3A_4 = arith.constant 0 : i32
    %dma_start3A_5 = arith.constant 0 : i32
    %dma_start3A_6 = tpu.memref_slice %arg3[%dma_start3A_4, %dma_start3A_5] : memref<1000x768xf32, #tpu.memory_space<hbm>> -> memref<1000x768xf32, #tpu.memory_space<hbm>>
    tpu.enqueue_indirect_dma source(%dma_start3A_6 : memref<1000x768xf32, #tpu.memory_space<hbm>>) target(%arg6 : memref<40x768xf32, #tpu.memory_space<vmem>>) offsets(%dma_start3A : memref<40xi32, #tpu.memory_space<vmem>>) semaphore(%arg10 : memref<!tpu.dma_semaphore, #tpu.memory_space<semaphore_mem>>)
    %multiple_of3A_7 = arith.constant 0 : i32
    %multiple_of3A_8 = tpu.assume_multiple %multiple_of3A_7, 8 : i32
    %dma_wait3A = tpu.memref_slice %arg5[%multiple_of3A_8] : memref<6400xi32, #tpu.memory_space<vmem>> -> memref<40xi32, #tpu.memory_space<vmem>>
    %dma_wait3A_9 = arith.constant 0 : i32
    %dma_wait3A_10 = arith.constant 0 : i32
    %dma_wait3A_11 = tpu.memref_slice %arg3[%dma_wait3A_9, %dma_wait3A_10] : memref<1000x768xf32, #tpu.memory_space<hbm>> -> memref<1000x768xf32, #tpu.memory_space<hbm>>
    tpu.wait_indirect_dma semaphore(%arg10 : memref<!tpu.dma_semaphore, #tpu.memory_space<semaphore_mem>>) src(%dma_wait3A_11 : memref<1000x768xf32, #tpu.memory_space<hbm>>) dst(%arg6 : memref<40x768xf32, #tpu.memory_space<vmem>>)
    %multiple_of3A_12 = arith.constant 0 : i32
    %multiple_of3A_13 = tpu.assume_multiple %multiple_of3A_12, 8 : i32
    %add3A_14 = arith.addi %mul3A_2, %multiple_of3A_13 : i32
    %dma_start3A_15 = arith.constant 0 : i32
    %dma_start3A_16 = tpu.memref_slice %arg4[%add3A_14, %dma_start3A_15] : memref<204800x768xf32, #tpu.memory_space<hbm>> -> memref<40x768xf32, #tpu.memory_space<hbm>>
    %dma_start3A_17 = arith.constant 0 : i32
    %dma_start3A_18 = tpu.memref_slice %arg4[%add3A_14, %dma_start3A_17] : memref<204800x768xf32, #tpu.memory_space<hbm>> -> memref<40x768xf32, #tpu.memory_space<hbm>>
    tpu.enqueue_dma source(%arg6 : memref<40x768xf32, #tpu.memory_space<vmem>>) target(%dma_start3A_18 : memref<40x768xf32, #tpu.memory_space<hbm>>) target_semaphore(%arg14 : memref<!tpu.dma_semaphore, #tpu.memory_space<semaphore_mem>>)
    %multiple_of3A_19 = arith.constant 40 : i32
    %multiple_of3A_20 = tpu.assume_multiple %multiple_of3A_19, 8 : i32
    %dma_start3A_21 = tpu.memref_slice %arg5[%multiple_of3A_20] : memref<6400xi32, #tpu.memory_space<vmem>> -> memref<40xi32, #tpu.memory_space<vmem>>
    %dma_start3A_22 = arith.constant 0 : i32
    %dma_start3A_23 = arith.constant 0 : i32
    %dma_start3A_24 = tpu.memref_slice %arg3[%dma_start3A_22, %dma_start3A_23] : memref<1000x768xf32, #tpu.memory_space<hbm>> -> memref<1000x768xf32, #tpu.memory_space<hbm>>
    tpu.enqueue_indirect_dma source(%dma_start3A_24 : memref<1000x768xf32, #tpu.memory_space<hbm>>) target(%arg7 : memref<40x768xf32, #tpu.memory_space<vmem>>) offsets(%dma_start3A_21 : memref<40xi32, #tpu.memory_space<vmem>>) semaphore(%arg11 : memref<!tpu.dma_semaphore, #tpu.memory_space<semaphore_mem>>)
    %multiple_of3A_25 = arith.constant 40 : i32
    %multiple_of3A_26 = tpu.assume_multiple %multiple_of3A_25, 8 : i32
    %dma_wait3A_27 = tpu.memref_slice %arg5[%multiple_of3A_26] : memref<6400xi32, #tpu.memory_space<vmem>> -> memref<40xi32, #tpu.memory_space<vmem>>
    %dma_wait3A_28 = arith.constant 0 : i32
    %dma_wait3A_29 = arith.constant 0 : i32
    %dma_wait3A_30 = tpu.memref_slice %arg3[%dma_wait3A_28, %dma_wait3A_29] : memref<1000x768xf32, #tpu.memory_space<hbm>> -> memref<1000x768xf32, #tpu.memory_space<hbm>>
    tpu.wait_indirect_dma semaphore(%arg11 : memref<!tpu.dma_semaphore, #tpu.memory_space<semaphore_mem>>) src(%dma_wait3A_30 : memref<1000x768xf32, #tpu.memory_space<hbm>>) dst(%arg7 : memref<40x768xf32, #tpu.memory_space<vmem>>)
    %multiple_of3A_31 = arith.constant 40 : i32
    %multiple_of3A_32 = tpu.assume_multiple %multiple_of3A_31, 8 : i32
    %add3A_33 = arith.addi %mul3A_2, %multiple_of3A_32 : i32
    %dma_start3A_34 = arith.constant 0 : i32
    %dma_start3A_35 = tpu.memref_slice %arg4[%add3A_33, %dma_start3A_34] : memref<204800x768xf32, #tpu.memory_space<hbm>> -> memref<40x768xf32, #tpu.memory_space<hbm>>
    %dma_start3A_36 = arith.constant 0 : i32
    %dma_start3A_37 = tpu.memref_slice %arg4[%add3A_33, %dma_start3A_36] : memref<204800x768xf32, #tpu.memory_space<hbm>> -> memref<40x768xf32, #tpu.memory_space<hbm>>
    tpu.enqueue_dma source(%arg7 : memref<40x768xf32, #tpu.memory_space<vmem>>) target(%dma_start3A_37 : memref<40x768xf32, #tpu.memory_space<hbm>>) target_semaphore(%arg15 : memref<!tpu.dma_semaphore, #tpu.memory_space<semaphore_mem>>)
    %multiple_of3A_38 = arith.constant 80 : i32
    %multiple_of3A_39 = tpu.assume_multiple %multiple_of3A_38, 8 : i32
    %dma_start3A_40 = tpu.memref_slice %arg5[%multiple_of3A_39] : memref<6400xi32, #tpu.memory_space<vmem>> -> memref<40xi32, #tpu.memory_space<vmem>>
    %dma_start3A_41 = arith.constant 0 : i32
    %dma_start3A_42 = arith.constant 0 : i32
    %dma_start3A_43 = tpu.memref_slice %arg3[%dma_start3A_41, %dma_start3A_42] : memref<1000x768xf32, #tpu.memory_space<hbm>> -> memref<1000x768xf32, #tpu.memory_space<hbm>>
    tpu.enqueue_indirect_dma source(%dma_start3A_43 : memref<1000x768xf32, #tpu.memory_space<hbm>>) target(%arg8 : memref<40x768xf32, #tpu.memory_space<vmem>>) offsets(%dma_start3A_40 : memref<40xi32, #tpu.memory_space<vmem>>) semaphore(%arg12 : memref<!tpu.dma_semaphore, #tpu.memory_space<semaphore_mem>>)
    %multiple_of3A_44 = arith.constant 80 : i32
    %multiple_of3A_45 = tpu.assume_multiple %multiple_of3A_44, 8 : i32
    %dma_wait3A_46 = tpu.memref_slice %arg5[%multiple_of3A_45] : memref<6400xi32, #tpu.memory_space<vmem>> -> memref<40xi32, #tpu.memory_space<vmem>>
    %dma_wait3A_47 = arith.constant 0 : i32
    %dma_wait3A_48 = arith.constant 0 : i32
    %dma_wait3A_49 = tpu.memref_slice %arg3[%dma_wait3A_47, %dma_wait3A_48] : memref<1000x768xf32, #tpu.memory_space<hbm>> -> memref<1000x768xf32, #tpu.memory_space<hbm>>
    tpu.wait_indirect_dma semaphore(%arg12 : memref<!tpu.dma_semaphore, #tpu.memory_space<semaphore_mem>>) src(%dma_wait3A_49 : memref<1000x768xf32, #tpu.memory_space<hbm>>) dst(%arg8 : memref<40x768xf32, #tpu.memory_space<vmem>>)
    %multiple_of3A_50 = arith.constant 80 : i32
    %multiple_of3A_51 = tpu.assume_multiple %multiple_of3A_50, 8 : i32
    %add3A_52 = arith.addi %mul3A_2, %multiple_of3A_51 : i32
    %dma_start3A_53 = arith.constant 0 : i32
    %dma_start3A_54 = tpu.memref_slice %arg4[%add3A_52, %dma_start3A_53] : memref<204800x768xf32, #tpu.memory_space<hbm>> -> memref<40x768xf32, #tpu.memory_space<hbm>>
    %dma_start3A_55 = arith.constant 0 : i32
    %dma_start3A_56 = tpu.memref_slice %arg4[%add3A_52, %dma_start3A_55] : memref<204800x768xf32, #tpu.memory_space<hbm>> -> memref<40x768xf32, #tpu.memory_space<hbm>>
    tpu.enqueue_dma source(%arg8 : memref<40x768xf32, #tpu.memory_space<vmem>>) target(%dma_start3A_56 : memref<40x768xf32, #tpu.memory_space<hbm>>) target_semaphore(%arg16 : memref<!tpu.dma_semaphore, #tpu.memory_space<semaphore_mem>>)
    %multiple_of3A_57 = arith.constant 120 : i32
    %multiple_of3A_58 = tpu.assume_multiple %multiple_of3A_57, 8 : i32
    %dma_start3A_59 = tpu.memref_slice %arg5[%multiple_of3A_58] : memref<6400xi32, #tpu.memory_space<vmem>> -> memref<40xi32, #tpu.memory_space<vmem>>
    %dma_start3A_60 = arith.constant 0 : i32
    %dma_start3A_61 = arith.constant 0 : i32
    %dma_start3A_62 = tpu.memref_slice %arg3[%dma_start3A_60, %dma_start3A_61] : memref<1000x768xf32, #tpu.memory_space<hbm>> -> memref<1000x768xf32, #tpu.memory_space<hbm>>
    tpu.enqueue_indirect_dma source(%dma_start3A_62 : memref<1000x768xf32, #tpu.memory_space<hbm>>) target(%arg9 : memref<40x768xf32, #tpu.memory_space<vmem>>) offsets(%dma_start3A_59 : memref<40xi32, #tpu.memory_space<vmem>>) semaphore(%arg13 : memref<!tpu.dma_semaphore, #tpu.memory_space<semaphore_mem>>)
    %scan3A = arith.constant 0 : i32
    %scan3A_63 = arith.constant 0 : i32
    %scan3A_64 = arith.constant 39 : i32
    %scan3A_65 = arith.addi %scan3A_63, %scan3A_64 : i32
    %scan3A_66 = arith.constant 1 : i32
    scf.for %scan3A_109 = %scan3A_63 to %scan3A_65 step %scan3A_66  : i32 {
      %mul3A_110 = arith.constant 4 : i32
      %mul3A_111 = arith.muli %scan3A_109, %mul3A_110 : i32
      %add3A_112 = arith.constant 3 : i32
      %add3A_113 = arith.addi %add3A_112, %mul3A_111 : i32
      %add3A_114 = arith.constant 0 : i32
      %add3A_115 = arith.addi %add3A_113, %add3A_114 : i32
      %mul3A_116 = arith.constant 40 : i32
      %mul3A_117 = arith.muli %add3A_115, %mul3A_116 : i32
      %multiple_of3A_118 = tpu.assume_multiple %mul3A_117, 8 : i32
      %dma_wait3A_119 = tpu.memref_slice %arg5[%multiple_of3A_118] : memref<6400xi32, #tpu.memory_space<vmem>> -> memref<40xi32, #tpu.memory_space<vmem>>
      %dma_wait3A_120 = arith.constant 0 : i32
      %dma_wait3A_121 = arith.constant 0 : i32
      %dma_wait3A_122 = tpu.memref_slice %arg3[%dma_wait3A_120, %dma_wait3A_121] : memref<1000x768xf32, #tpu.memory_space<hbm>> -> memref<1000x768xf32, #tpu.memory_space<hbm>>
      tpu.wait_indirect_dma semaphore(%arg13 : memref<!tpu.dma_semaphore, #tpu.memory_space<semaphore_mem>>) src(%dma_wait3A_122 : memref<1000x768xf32, #tpu.memory_space<hbm>>) dst(%arg9 : memref<40x768xf32, #tpu.memory_space<vmem>>)
      %mul3A_123 = arith.constant 40 : i32
      %mul3A_124 = arith.muli %add3A_115, %mul3A_123 : i32
      %multiple_of3A_125 = tpu.assume_multiple %mul3A_124, 8 : i32
      %add3A_126 = arith.addi %mul3A_2, %multiple_of3A_125 : i32
      %dma_start3A_127 = arith.constant 0 : i32
      %dma_start3A_128 = tpu.memref_slice %arg4[%add3A_126, %dma_start3A_127] : memref<204800x768xf32, #tpu.memory_space<hbm>> -> memref<40x768xf32, #tpu.memory_space<hbm>>
      %dma_start3A_129 = arith.constant 0 : i32
      %dma_start3A_130 = tpu.memref_slice %arg4[%add3A_126, %dma_start3A_129] : memref<204800x768xf32, #tpu.memory_space<hbm>> -> memref<40x768xf32, #tpu.memory_space<hbm>>
      tpu.enqueue_dma source(%arg9 : memref<40x768xf32, #tpu.memory_space<vmem>>) target(%dma_start3A_130 : memref<40x768xf32, #tpu.memory_space<hbm>>) target_semaphore(%arg17 : memref<!tpu.dma_semaphore, #tpu.memory_space<semaphore_mem>>)
      %add3A_131 = arith.constant 1 : i32
      %add3A_132 = arith.addi %add3A_115, %add3A_131 : i32
      %sub3A = arith.constant 4 : i32
      %sub3A_133 = arith.subi %add3A_132, %sub3A : i32
      %mul3A_134 = arith.constant 40 : i32
      %mul3A_135 = arith.muli %sub3A_133, %mul3A_134 : i32
      %multiple_of3A_136 = tpu.assume_multiple %mul3A_135, 8 : i32
      %add3A_137 = arith.addi %mul3A_2, %multiple_of3A_136 : i32
      %dma_wait3A_138 = arith.constant 0 : i32
      %dma_wait3A_139 = tpu.memref_slice %arg4[%add3A_137, %dma_wait3A_138] : memref<204800x768xf32, #tpu.memory_space<hbm>> -> memref<40x768xf32, #tpu.memory_space<hbm>>
      %dma_wait3A_140 = arith.constant 0 : i32
      %dma_wait3A_141 = tpu.memref_slice %arg4[%add3A_137, %dma_wait3A_140] : memref<204800x768xf32, #tpu.memory_space<hbm>> -> memref<40x768xf32, #tpu.memory_space<hbm>>
      tpu.wait_dma2 semaphore(%arg14 : memref<!tpu.dma_semaphore, #tpu.memory_space<semaphore_mem>>) src(%arg6 : memref<40x768xf32, #tpu.memory_space<vmem>>) dst(%dma_wait3A_141 : memref<40x768xf32, #tpu.memory_space<hbm>>)
      %add3A_142 = arith.constant 1 : i32
      %add3A_143 = arith.addi %add3A_115, %add3A_142 : i32
      %mul3A_144 = arith.constant 40 : i32
      %mul3A_145 = arith.muli %add3A_143, %mul3A_144 : i32
      %multiple_of3A_146 = tpu.assume_multiple %mul3A_145, 8 : i32
      %dma_start3A_147 = tpu.memref_slice %arg5[%multiple_of3A_146] : memref<6400xi32, #tpu.memory_space<vmem>> -> memref<40xi32, #tpu.memory_space<vmem>>
      %dma_start3A_148 = arith.constant 0 : i32
      %dma_start3A_149 = arith.constant 0 : i32
      %dma_start3A_150 = tpu.memref_slice %arg3[%dma_start3A_148, %dma_start3A_149] : memref<1000x768xf32, #tpu.memory_space<hbm>> -> memref<1000x768xf32, #tpu.memory_space<hbm>>
      tpu.enqueue_indirect_dma source(%dma_start3A_150 : memref<1000x768xf32, #tpu.memory_space<hbm>>) target(%arg6 : memref<40x768xf32, #tpu.memory_space<vmem>>) offsets(%dma_start3A_147 : memref<40xi32, #tpu.memory_space<vmem>>) semaphore(%arg10 : memref<!tpu.dma_semaphore, #tpu.memory_space<semaphore_mem>>)
      %mul3A_151 = arith.constant 4 : i32
      %mul3A_152 = arith.muli %scan3A_109, %mul3A_151 : i32
      %add3A_153 = arith.constant 3 : i32
      %add3A_154 = arith.addi %add3A_153, %mul3A_152 : i32
      %add3A_155 = arith.constant 1 : i32
      %add3A_156 = arith.addi %add3A_154, %add3A_155 : i32
      %mul3A_157 = arith.constant 40 : i32
      %mul3A_158 = arith.muli %add3A_156, %mul3A_157 : i32
      %multiple_of3A_159 = tpu.assume_multiple %mul3A_158, 8 : i32
      %dma_wait3A_160 = tpu.memref_slice %arg5[%multiple_of3A_159] : memref<6400xi32, #tpu.memory_space<vmem>> -> memref<40xi32, #tpu.memory_space<vmem>>
      %dma_wait3A_161 = arith.constant 0 : i32
      %dma_wait3A_162 = arith.constant 0 : i32
      %dma_wait3A_163 = tpu.memref_slice %arg3[%dma_wait3A_161, %dma_wait3A_162] : memref<1000x768xf32, #tpu.memory_space<hbm>> -> memref<1000x768xf32, #tpu.memory_space<hbm>>
      tpu.wait_indirect_dma semaphore(%arg10 : memref<!tpu.dma_semaphore, #tpu.memory_space<semaphore_mem>>) src(%dma_wait3A_163 : memref<1000x768xf32, #tpu.memory_space<hbm>>) dst(%arg6 : memref<40x768xf32, #tpu.memory_space<vmem>>)
      %mul3A_164 = arith.constant 40 : i32
      %mul3A_165 = arith.muli %add3A_156, %mul3A_164 : i32
      %multiple_of3A_166 = tpu.assume_multiple %mul3A_165, 8 : i32
      %add3A_167 = arith.addi %mul3A_2, %multiple_of3A_166 : i32
      %dma_start3A_168 = arith.constant 0 : i32
      %dma_start3A_169 = tpu.memref_slice %arg4[%add3A_167, %dma_start3A_168] : memref<204800x768xf32, #tpu.memory_space<hbm>> -> memref<40x768xf32, #tpu.memory_space<hbm>>
      %dma_start3A_170 = arith.constant 0 : i32
      %dma_start3A_171 = tpu.memref_slice %arg4[%add3A_167, %dma_start3A_170] : memref<204800x768xf32, #tpu.memory_space<hbm>> -> memref<40x768xf32, #tpu.memory_space<hbm>>
      tpu.enqueue_dma source(%arg6 : memref<40x768xf32, #tpu.memory_space<vmem>>) target(%dma_start3A_171 : memref<40x768xf32, #tpu.memory_space<hbm>>) target_semaphore(%arg14 : memref<!tpu.dma_semaphore, #tpu.memory_space<semaphore_mem>>)
      %add3A_172 = arith.constant 1 : i32
      %add3A_173 = arith.addi %add3A_156, %add3A_172 : i32
      %sub3A_174 = arith.constant 4 : i32
      %sub3A_175 = arith.subi %add3A_173, %sub3A_174 : i32
      %mul3A_176 = arith.constant 40 : i32
      %mul3A_177 = arith.muli %sub3A_175, %mul3A_176 : i32
      %multiple_of3A_178 = tpu.assume_multiple %mul3A_177, 8 : i32
      %add3A_179 = arith.addi %mul3A_2, %multiple_of3A_178 : i32
      %dma_wait3A_180 = arith.constant 0 : i32
      %dma_wait3A_181 = tpu.memref_slice %arg4[%add3A_179, %dma_wait3A_180] : memref<204800x768xf32, #tpu.memory_space<hbm>> -> memref<40x768xf32, #tpu.memory_space<hbm>>
      %dma_wait3A_182 = arith.constant 0 : i32
      %dma_wait3A_183 = tpu.memref_slice %arg4[%add3A_179, %dma_wait3A_182] : memref<204800x768xf32, #tpu.memory_space<hbm>> -> memref<40x768xf32, #tpu.memory_space<hbm>>
      tpu.wait_dma2 semaphore(%arg15 : memref<!tpu.dma_semaphore, #tpu.memory_space<semaphore_mem>>) src(%arg7 : memref<40x768xf32, #tpu.memory_space<vmem>>) dst(%dma_wait3A_183 : memref<40x768xf32, #tpu.memory_space<hbm>>)
      %add3A_184 = arith.constant 1 : i32
      %add3A_185 = arith.addi %add3A_156, %add3A_184 : i32
      %mul3A_186 = arith.constant 40 : i32
      %mul3A_187 = arith.muli %add3A_185, %mul3A_186 : i32
      %multiple_of3A_188 = tpu.assume_multiple %mul3A_187, 8 : i32
      %dma_start3A_189 = tpu.memref_slice %arg5[%multiple_of3A_188] : memref<6400xi32, #tpu.memory_space<vmem>> -> memref<40xi32, #tpu.memory_space<vmem>>
      %dma_start3A_190 = arith.constant 0 : i32
      %dma_start3A_191 = arith.constant 0 : i32
      %dma_start3A_192 = tpu.memref_slice %arg3[%dma_start3A_190, %dma_start3A_191] : memref<1000x768xf32, #tpu.memory_space<hbm>> -> memref<1000x768xf32, #tpu.memory_space<hbm>>
      tpu.enqueue_indirect_dma source(%dma_start3A_192 : memref<1000x768xf32, #tpu.memory_space<hbm>>) target(%arg7 : memref<40x768xf32, #tpu.memory_space<vmem>>) offsets(%dma_start3A_189 : memref<40xi32, #tpu.memory_space<vmem>>) semaphore(%arg11 : memref<!tpu.dma_semaphore, #tpu.memory_space<semaphore_mem>>)
      %mul3A_193 = arith.constant 4 : i32
      %mul3A_194 = arith.muli %scan3A_109, %mul3A_193 : i32
      %add3A_195 = arith.constant 3 : i32
      %add3A_196 = arith.addi %add3A_195, %mul3A_194 : i32
      %add3A_197 = arith.constant 2 : i32
      %add3A_198 = arith.addi %add3A_196, %add3A_197 : i32
      %mul3A_199 = arith.constant 40 : i32
      %mul3A_200 = arith.muli %add3A_198, %mul3A_199 : i32
      %multiple_of3A_201 = tpu.assume_multiple %mul3A_200, 8 : i32
      %dma_wait3A_202 = tpu.memref_slice %arg5[%multiple_of3A_201] : memref<6400xi32, #tpu.memory_space<vmem>> -> memref<40xi32, #tpu.memory_space<vmem>>
      %dma_wait3A_203 = arith.constant 0 : i32
      %dma_wait3A_204 = arith.constant 0 : i32
      %dma_wait3A_205 = tpu.memref_slice %arg3[%dma_wait3A_203, %dma_wait3A_204] : memref<1000x768xf32, #tpu.memory_space<hbm>> -> memref<1000x768xf32, #tpu.memory_space<hbm>>
      tpu.wait_indirect_dma semaphore(%arg11 : memref<!tpu.dma_semaphore, #tpu.memory_space<semaphore_mem>>) src(%dma_wait3A_205 : memref<1000x768xf32, #tpu.memory_space<hbm>>) dst(%arg7 : memref<40x768xf32, #tpu.memory_space<vmem>>)
      %mul3A_206 = arith.constant 40 : i32
      %mul3A_207 = arith.muli %add3A_198, %mul3A_206 : i32
      %multiple_of3A_208 = tpu.assume_multiple %mul3A_207, 8 : i32
      %add3A_209 = arith.addi %mul3A_2, %multiple_of3A_208 : i32
      %dma_start3A_210 = arith.constant 0 : i32
      %dma_start3A_211 = tpu.memref_slice %arg4[%add3A_209, %dma_start3A_210] : memref<204800x768xf32, #tpu.memory_space<hbm>> -> memref<40x768xf32, #tpu.memory_space<hbm>>
      %dma_start3A_212 = arith.constant 0 : i32
      %dma_start3A_213 = tpu.memref_slice %arg4[%add3A_209, %dma_start3A_212] : memref<204800x768xf32, #tpu.memory_space<hbm>> -> memref<40x768xf32, #tpu.memory_space<hbm>>
      tpu.enqueue_dma source(%arg7 : memref<40x768xf32, #tpu.memory_space<vmem>>) target(%dma_start3A_213 : memref<40x768xf32, #tpu.memory_space<hbm>>) target_semaphore(%arg15 : memref<!tpu.dma_semaphore, #tpu.memory_space<semaphore_mem>>)
      %add3A_214 = arith.constant 1 : i32
      %add3A_215 = arith.addi %add3A_198, %add3A_214 : i32
      %sub3A_216 = arith.constant 4 : i32
      %sub3A_217 = arith.subi %add3A_215, %sub3A_216 : i32
      %mul3A_218 = arith.constant 40 : i32
      %mul3A_219 = arith.muli %sub3A_217, %mul3A_218 : i32
      %multiple_of3A_220 = tpu.assume_multiple %mul3A_219, 8 : i32
      %add3A_221 = arith.addi %mul3A_2, %multiple_of3A_220 : i32
      %dma_wait3A_222 = arith.constant 0 : i32
      %dma_wait3A_223 = tpu.memref_slice %arg4[%add3A_221, %dma_wait3A_222] : memref<204800x768xf32, #tpu.memory_space<hbm>> -> memref<40x768xf32, #tpu.memory_space<hbm>>
      %dma_wait3A_224 = arith.constant 0 : i32
      %dma_wait3A_225 = tpu.memref_slice %arg4[%add3A_221, %dma_wait3A_224] : memref<204800x768xf32, #tpu.memory_space<hbm>> -> memref<40x768xf32, #tpu.memory_space<hbm>>
      tpu.wait_dma2 semaphore(%arg16 : memref<!tpu.dma_semaphore, #tpu.memory_space<semaphore_mem>>) src(%arg8 : memref<40x768xf32, #tpu.memory_space<vmem>>) dst(%dma_wait3A_225 : memref<40x768xf32, #tpu.memory_space<hbm>>)
      %add3A_226 = arith.constant 1 : i32
      %add3A_227 = arith.addi %add3A_198, %add3A_226 : i32
      %mul3A_228 = arith.constant 40 : i32
      %mul3A_229 = arith.muli %add3A_227, %mul3A_228 : i32
      %multiple_of3A_230 = tpu.assume_multiple %mul3A_229, 8 : i32
      %dma_start3A_231 = tpu.memref_slice %arg5[%multiple_of3A_230] : memref<6400xi32, #tpu.memory_space<vmem>> -> memref<40xi32, #tpu.memory_space<vmem>>
      %dma_start3A_232 = arith.constant 0 : i32
      %dma_start3A_233 = arith.constant 0 : i32
      %dma_start3A_234 = tpu.memref_slice %arg3[%dma_start3A_232, %dma_start3A_233] : memref<1000x768xf32, #tpu.memory_space<hbm>> -> memref<1000x768xf32, #tpu.memory_space<hbm>>
      tpu.enqueue_indirect_dma source(%dma_start3A_234 : memref<1000x768xf32, #tpu.memory_space<hbm>>) target(%arg8 : memref<40x768xf32, #tpu.memory_space<vmem>>) offsets(%dma_start3A_231 : memref<40xi32, #tpu.memory_space<vmem>>) semaphore(%arg12 : memref<!tpu.dma_semaphore, #tpu.memory_space<semaphore_mem>>)
      %mul3A_235 = arith.constant 4 : i32
      %mul3A_236 = arith.muli %scan3A_109, %mul3A_235 : i32
      %add3A_237 = arith.constant 3 : i32
      %add3A_238 = arith.addi %add3A_237, %mul3A_236 : i32
      %add3A_239 = arith.constant 3 : i32
      %add3A_240 = arith.addi %add3A_238, %add3A_239 : i32
      %mul3A_241 = arith.constant 40 : i32
      %mul3A_242 = arith.muli %add3A_240, %mul3A_241 : i32
      %multiple_of3A_243 = tpu.assume_multiple %mul3A_242, 8 : i32
      %dma_wait3A_244 = tpu.memref_slice %arg5[%multiple_of3A_243] : memref<6400xi32, #tpu.memory_space<vmem>> -> memref<40xi32, #tpu.memory_space<vmem>>
      %dma_wait3A_245 = arith.constant 0 : i32
      %dma_wait3A_246 = arith.constant 0 : i32
      %dma_wait3A_247 = tpu.memref_slice %arg3[%dma_wait3A_245, %dma_wait3A_246] : memref<1000x768xf32, #tpu.memory_space<hbm>> -> memref<1000x768xf32, #tpu.memory_space<hbm>>
      tpu.wait_indirect_dma semaphore(%arg12 : memref<!tpu.dma_semaphore, #tpu.memory_space<semaphore_mem>>) src(%dma_wait3A_247 : memref<1000x768xf32, #tpu.memory_space<hbm>>) dst(%arg8 : memref<40x768xf32, #tpu.memory_space<vmem>>)
      %mul3A_248 = arith.constant 40 : i32
      %mul3A_249 = arith.muli %add3A_240, %mul3A_248 : i32
      %multiple_of3A_250 = tpu.assume_multiple %mul3A_249, 8 : i32
      %add3A_251 = arith.addi %mul3A_2, %multiple_of3A_250 : i32
      %dma_start3A_252 = arith.constant 0 : i32
      %dma_start3A_253 = tpu.memref_slice %arg4[%add3A_251, %dma_start3A_252] : memref<204800x768xf32, #tpu.memory_space<hbm>> -> memref<40x768xf32, #tpu.memory_space<hbm>>
      %dma_start3A_254 = arith.constant 0 : i32
      %dma_start3A_255 = tpu.memref_slice %arg4[%add3A_251, %dma_start3A_254] : memref<204800x768xf32, #tpu.memory_space<hbm>> -> memref<40x768xf32, #tpu.memory_space<hbm>>
      tpu.enqueue_dma source(%arg8 : memref<40x768xf32, #tpu.memory_space<vmem>>) target(%dma_start3A_255 : memref<40x768xf32, #tpu.memory_space<hbm>>) target_semaphore(%arg16 : memref<!tpu.dma_semaphore, #tpu.memory_space<semaphore_mem>>)
      %add3A_256 = arith.constant 1 : i32
      %add3A_257 = arith.addi %add3A_240, %add3A_256 : i32
      %sub3A_258 = arith.constant 4 : i32
      %sub3A_259 = arith.subi %add3A_257, %sub3A_258 : i32
      %mul3A_260 = arith.constant 40 : i32
      %mul3A_261 = arith.muli %sub3A_259, %mul3A_260 : i32
      %multiple_of3A_262 = tpu.assume_multiple %mul3A_261, 8 : i32
      %add3A_263 = arith.addi %mul3A_2, %multiple_of3A_262 : i32
      %dma_wait3A_264 = arith.constant 0 : i32
      %dma_wait3A_265 = tpu.memref_slice %arg4[%add3A_263, %dma_wait3A_264] : memref<204800x768xf32, #tpu.memory_space<hbm>> -> memref<40x768xf32, #tpu.memory_space<hbm>>
      %dma_wait3A_266 = arith.constant 0 : i32
      %dma_wait3A_267 = tpu.memref_slice %arg4[%add3A_263, %dma_wait3A_266] : memref<204800x768xf32, #tpu.memory_space<hbm>> -> memref<40x768xf32, #tpu.memory_space<hbm>>
      tpu.wait_dma2 semaphore(%arg17 : memref<!tpu.dma_semaphore, #tpu.memory_space<semaphore_mem>>) src(%arg9 : memref<40x768xf32, #tpu.memory_space<vmem>>) dst(%dma_wait3A_267 : memref<40x768xf32, #tpu.memory_space<hbm>>)
      %add3A_268 = arith.constant 1 : i32
      %add3A_269 = arith.addi %add3A_240, %add3A_268 : i32
      %mul3A_270 = arith.constant 40 : i32
      %mul3A_271 = arith.muli %add3A_269, %mul3A_270 : i32
      %multiple_of3A_272 = tpu.assume_multiple %mul3A_271, 8 : i32
      %dma_start3A_273 = tpu.memref_slice %arg5[%multiple_of3A_272] : memref<6400xi32, #tpu.memory_space<vmem>> -> memref<40xi32, #tpu.memory_space<vmem>>
      %dma_start3A_274 = arith.constant 0 : i32
      %dma_start3A_275 = arith.constant 0 : i32
      %dma_start3A_276 = tpu.memref_slice %arg3[%dma_start3A_274, %dma_start3A_275] : memref<1000x768xf32, #tpu.memory_space<hbm>> -> memref<1000x768xf32, #tpu.memory_space<hbm>>
      tpu.enqueue_indirect_dma source(%dma_start3A_276 : memref<1000x768xf32, #tpu.memory_space<hbm>>) target(%arg9 : memref<40x768xf32, #tpu.memory_space<vmem>>) offsets(%dma_start3A_273 : memref<40xi32, #tpu.memory_space<vmem>>) semaphore(%arg13 : memref<!tpu.dma_semaphore, #tpu.memory_space<semaphore_mem>>)
    }
    %scan3A_67 = arith.constant 39 : i32
    %multiple_of3A_68 = arith.constant 6360 : i32
    %multiple_of3A_69 = tpu.assume_multiple %multiple_of3A_68, 8 : i32
    %dma_wait3A_70 = tpu.memref_slice %arg5[%multiple_of3A_69] : memref<6400xi32, #tpu.memory_space<vmem>> -> memref<40xi32, #tpu.memory_space<vmem>>
    %dma_wait3A_71 = arith.constant 0 : i32
    %dma_wait3A_72 = arith.constant 0 : i32
    %dma_wait3A_73 = tpu.memref_slice %arg3[%dma_wait3A_71, %dma_wait3A_72] : memref<1000x768xf32, #tpu.memory_space<hbm>> -> memref<1000x768xf32, #tpu.memory_space<hbm>>
    tpu.wait_indirect_dma semaphore(%arg13 : memref<!tpu.dma_semaphore, #tpu.memory_space<semaphore_mem>>) src(%dma_wait3A_73 : memref<1000x768xf32, #tpu.memory_space<hbm>>) dst(%arg9 : memref<40x768xf32, #tpu.memory_space<vmem>>)
    %multiple_of3A_74 = arith.constant 6360 : i32
    %multiple_of3A_75 = tpu.assume_multiple %multiple_of3A_74, 8 : i32
    %add3A_76 = arith.addi %mul3A_2, %multiple_of3A_75 : i32
    %dma_start3A_77 = arith.constant 0 : i32
    %dma_start3A_78 = tpu.memref_slice %arg4[%add3A_76, %dma_start3A_77] : memref<204800x768xf32, #tpu.memory_space<hbm>> -> memref<40x768xf32, #tpu.memory_space<hbm>>
    %dma_start3A_79 = arith.constant 0 : i32
    %dma_start3A_80 = tpu.memref_slice %arg4[%add3A_76, %dma_start3A_79] : memref<204800x768xf32, #tpu.memory_space<hbm>> -> memref<40x768xf32, #tpu.memory_space<hbm>>
    tpu.enqueue_dma source(%arg9 : memref<40x768xf32, #tpu.memory_space<vmem>>) target(%dma_start3A_80 : memref<40x768xf32, #tpu.memory_space<hbm>>) target_semaphore(%arg17 : memref<!tpu.dma_semaphore, #tpu.memory_space<semaphore_mem>>)
    %multiple_of3A_81 = arith.constant 6240 : i32
    %multiple_of3A_82 = tpu.assume_multiple %multiple_of3A_81, 8 : i32
    %add3A_83 = arith.addi %mul3A_2, %multiple_of3A_82 : i32
    %dma_wait3A_84 = arith.constant 0 : i32
    %dma_wait3A_85 = tpu.memref_slice %arg4[%add3A_83, %dma_wait3A_84] : memref<204800x768xf32, #tpu.memory_space<hbm>> -> memref<40x768xf32, #tpu.memory_space<hbm>>
    %dma_wait3A_86 = arith.constant 0 : i32
    %dma_wait3A_87 = tpu.memref_slice %arg4[%add3A_83, %dma_wait3A_86] : memref<204800x768xf32, #tpu.memory_space<hbm>> -> memref<40x768xf32, #tpu.memory_space<hbm>>
    tpu.wait_dma2 semaphore(%arg14 : memref<!tpu.dma_semaphore, #tpu.memory_space<semaphore_mem>>) src(%arg6 : memref<40x768xf32, #tpu.memory_space<vmem>>) dst(%dma_wait3A_87 : memref<40x768xf32, #tpu.memory_space<hbm>>)
    %multiple_of3A_88 = arith.constant 6280 : i32
    %multiple_of3A_89 = tpu.assume_multiple %multiple_of3A_88, 8 : i32
    %add3A_90 = arith.addi %mul3A_2, %multiple_of3A_89 : i32
    %dma_wait3A_91 = arith.constant 0 : i32
    %dma_wait3A_92 = tpu.memref_slice %arg4[%add3A_90, %dma_wait3A_91] : memref<204800x768xf32, #tpu.memory_space<hbm>> -> memref<40x768xf32, #tpu.memory_space<hbm>>
    %dma_wait3A_93 = arith.constant 0 : i32
    %dma_wait3A_94 = tpu.memref_slice %arg4[%add3A_90, %dma_wait3A_93] : memref<204800x768xf32, #tpu.memory_space<hbm>> -> memref<40x768xf32, #tpu.memory_space<hbm>>
    tpu.wait_dma2 semaphore(%arg15 : memref<!tpu.dma_semaphore, #tpu.memory_space<semaphore_mem>>) src(%arg7 : memref<40x768xf32, #tpu.memory_space<vmem>>) dst(%dma_wait3A_94 : memref<40x768xf32, #tpu.memory_space<hbm>>)
    %multiple_of3A_95 = arith.constant 6320 : i32
    %multiple_of3A_96 = tpu.assume_multiple %multiple_of3A_95, 8 : i32
    %add3A_97 = arith.addi %mul3A_2, %multiple_of3A_96 : i32
    %dma_wait3A_98 = arith.constant 0 : i32
    %dma_wait3A_99 = tpu.memref_slice %arg4[%add3A_97, %dma_wait3A_98] : memref<204800x768xf32, #tpu.memory_space<hbm>> -> memref<40x768xf32, #tpu.memory_space<hbm>>
    %dma_wait3A_100 = arith.constant 0 : i32
    %dma_wait3A_101 = tpu.memref_slice %arg4[%add3A_97, %dma_wait3A_100] : memref<204800x768xf32, #tpu.memory_space<hbm>> -> memref<40x768xf32, #tpu.memory_space<hbm>>
    tpu.wait_dma2 semaphore(%arg16 : memref<!tpu.dma_semaphore, #tpu.memory_space<semaphore_mem>>) src(%arg8 : memref<40x768xf32, #tpu.memory_space<vmem>>) dst(%dma_wait3A_101 : memref<40x768xf32, #tpu.memory_space<hbm>>)
    %multiple_of3A_102 = arith.constant 6360 : i32
    %multiple_of3A_103 = tpu.assume_multiple %multiple_of3A_102, 8 : i32
    %add3A_104 = arith.addi %mul3A_2, %multiple_of3A_103 : i32
    %dma_wait3A_105 = arith.constant 0 : i32
    %dma_wait3A_106 = tpu.memref_slice %arg4[%add3A_104, %dma_wait3A_105] : memref<204800x768xf32, #tpu.memory_space<hbm>> -> memref<40x768xf32, #tpu.memory_space<hbm>>
    %dma_wait3A_107 = arith.constant 0 : i32
    %dma_wait3A_108 = tpu.memref_slice %arg4[%add3A_104, %dma_wait3A_107] : memref<204800x768xf32, #tpu.memory_space<hbm>> -> memref<40x768xf32, #tpu.memory_space<hbm>>
    tpu.wait_dma2 semaphore(%arg17 : memref<!tpu.dma_semaphore, #tpu.memory_space<semaphore_mem>>) src(%arg9 : memref<40x768xf32, #tpu.memory_space<vmem>>) dst(%dma_wait3A_108 : memref<40x768xf32, #tpu.memory_space<hbm>>)
    return
  }
}

</mosaic_0001>

<sc_bundles>
// kernel: kernel.3.cloned.1.call-start
scs
__scs_entry_jumppad:
0x0: {  	(pc) =	sbr.rel $0x88, $3  }
0x1: {  	(tag) =	ssettag $0x0;
	lr =	simm.s32 $0x1  }
0x2: {  	[smem:$0x3F9F] =	sst lr;
	_ =	strace $0xD0000000  }
0x3: {  	_ = 	snop  }
0x4: {  	_ = 	snop  }
0x5: {  	_ = 	snop  }
0x6: {  	_ = 	snop  }
0x7: {  	_ = 	snop  }
__scs_overlays_trampoline_lowered:
0x8: {  	[smem:$0x3FAE] =	sst s0  }
0x9: {  	[smem:$0x3FAF] =	sst s1  }
0xa: {  	[smem:$0x3FB0] =	sst s2  }
0xb: {  	[smem:$0x3FB1] =	sst s3  }
0xc: {  	[smem:$0x3FB2] =	sst s4  }
0xd: {  	[smem:$0x3FB3] =	sst s5  }
0xe: {  	[smem:$0x3FB4] =	sst s6  }
0xf: {  	[smem:$0x3FB5] =	sst s7  }
0x10: {  	[smem:$0x3FB6] =	sst s8  }
0x11: {  	[smem:$0x3FB7] =	sst s9;
	s0 =	simm.s32 @!p0 $0x0  }
0x12: {  	s1 =	sld [smem:$0x3F9D];
	s0 =	simm.s32 @p0 $0x1  }
0x13: {  	[smem:$0x3FB8] =	sst s0;
	s0 =	simm.s32 @!p1 $0x0  }
0x14: {  	s2 =	sld [smem:$0x3F9C];
	s0 =	simm.s32 @p1 $0x1  }
0x15: {  	[smem:$0x3FB9] =	sst s0;
	s0 =	simm.s32 @!p2 $0x0  }
0x16: {  	s3 =	sld [smem:$0x3FDB];
	s0 =	simm.s32 @p2 $0x1  }
0x17: {  	s4 =	simm.s32 $0x1BF5;
	[smem:$0x3FBB] =	sst s0  }
0x18: {  	s0 =	sld [smem:$0x3F9E];
	_ =	swait.ge [sflag:s4], $0x0  }
0x19: {  	s7 =	sld [smem:$0x3F9F]  }
0x1a: {  	s8 =	sadd.s32 $0xFFFFE003, lr  }
0x1b: {  	s9 =	sadd.s32 $0xFFFFFEF7, lr;
	s5 =	simm.s32 $0xFFFFFFFF;
	p2 =	slt.u32 s8, $0xFFFFF086  }
0x1c: {  	p1 =	slt.u32 s9, $0xF7A;
	s5 =	simm.s32 @!p2 $0x0  }
0x1d: {  	s5 =	simm.s32 @p1 $0x1;
	p0 =	seq.s32 s7, s2  }
0x1e: {  	s7 =	smul.u32 @!p0 $0xF7A, s2;
	p2 =	seq.s32 @!p0 s5, $0x0  }
0x1f: {  	s9 =	smul.u32 $0xF7A, s1;
	s8 =	simm.s32 @!p0 $0x1BF5;
	p2 =	por !p2, p0  }
0x20: {  	[sflag:s8] =	ssyncset.s32 @!p0 $0xFFFFF086;
	s6 =	sadd.s32 @!p0 s3, s7;
	s7 =	simm.s32 @!p0 $0x108  }
0x21: {  	s3 =	sadd.s32 s3, s9;
	s6 =	sadd.s32 @!p0 $0x88, s6;
	s7 =	simm.s32 @p2 $0x1082  }
0x22: {  	[simem:s7], [sflag:s8] =	dma.local @!p0 [hbm:s6], $0xF7A  }
0x23: {  	s9 =	sor.u32 $0xD0000000, s2;
	s6 =	simm.s32 $0x108;
	_ =	swait.ge @!p0 [sflag:s8], $0x0  }
0x24: {  	s3 =	sadd.s32 $0x88, s3;
	s6 =	simm.s32 @!p1 $0x1082;
	[sflag:s4] =	ssyncset.s32 $0xFFFFF086  }
0x25: {  	[simem:s6], [sflag:s4] =	dma.local [hbm:s3], $0xF7A  }
0x26: {  	[smem:$0x3F9F] =	sst s1;
	(tag) =	ssettag s2;
	_ =	strace s9  }
0x27: {  	s1 =	sld [smem:$0x3FAF]  }
0x28: {  	s2 =	sld [smem:$0x3FB0]  }
0x29: {  	s4 =	sld [smem:$0x3FB2]  }
0x2a: {  	p0 =	seq.s32 s5, $0x0;
	s5 =	sld [smem:$0x3FB3]  }
0x2b: {  	s6 =	sld [smem:$0x3FB4]  }
0x2c: {  	s7 =	sld [smem:$0x3FB5]  }
0x2d: {  	s3 =	simm.s32 $0x108;
	s8 =	sld [smem:$0x3FB6]  }
0x2e: {  	s3 =	simm.s32 @!p0 $0x1082;
	s9 =	sld [smem:$0x3FB7]  }
0x2f: {  	lr =	sadd.s32 s0, s3;
	s0 =	sld [smem:$0x3FAE]  }
0x30: {  	s3 =	sld [smem:$0x3FB1]  }
0x31: {  	[smem:$0x3FBA] =	sst s10  }
0x32: {  	s10 =	sld [smem:$0x3FB8];
	_ =	sdelay $0x3  }
0x33: {  	p0 =	seq.s32 s10, $0x1;
	s10 =	sld [smem:$0x3FBA];
	_ =	sdelay $0x3  }
0x34: {  	[smem:$0x3FBA] =	sst s10  }
0x35: {  	s10 =	sld [smem:$0x3FB9];
	_ =	sdelay $0x3  }
0x36: {  	p1 =	seq.s32 s10, $0x1;
	s10 =	sld [smem:$0x3FBA];
	_ =	sdelay $0x3  }
0x37: {  	[smem:$0x3FBA] =	sst s10  }
0x38: {  	s10 =	sld [smem:$0x3FBB]  }
0x39: {  	_ = 	snop;
	(pc) =	sbr.ind lr, $3  }
0x3a: {  	_ = 	snop  }
0x3b: {  	_ = 	snop  }
0x3c: {  	p2 =	seq.s32 s10, $0x1;
	s10 =	sld [smem:$0x3FBA]  }
0x3d: {  	_ =	shalt  }
0x3e: {  	_ =	shalt  }
0x3f: {  	_ =	shalt  }
0x40: {  	_ =	shalt  }
0x41: {  	_ =	shalt  }
0x42: {  	_ =	shalt  }
0x43: {  	_ =	shalt  }
0x44: {  	_ =	shalt  }
0x45: {  	_ =	shalt  }
0x46: {  	_ =	shalt  }
0x47: {  	_ =	shalt  }
0x48: {  	_ =	shalt  }
0x49: {  	_ =	shalt  }
0x4a: {  	_ =	shalt  }
0x4b: {  	_ =	shalt  }
0x4c: {  	_ =	shalt  }
0x4d: {  	_ =	shalt  }
0x4e: {  	_ =	shalt  }
0x4f: {  	_ =	shalt  }
0x50: {  	_ =	shalt  }
0x51: {  	_ =	shalt  }
0x52: {  	_ =	shalt  }
0x53: {  	_ =	shalt  }
0x54: {  	_ =	shalt  }
0x55: {  	_ =	shalt  }
0x56: {  	_ =	shalt  }
0x57: {  	_ =	shalt  }
0x58: {  	_ =	shalt  }
0x59: {  	_ =	shalt  }
0x5a: {  	_ =	shalt  }
0x5b: {  	_ =	shalt  }
0x5c: {  	_ =	shalt  }
0x5d: {  	_ =	shalt  }
0x5e: {  	_ =	shalt  }
0x5f: {  	_ =	shalt  }
0x60: {  	_ =	shalt  }
0x61: {  	_ =	shalt  }
0x62: {  	_ =	shalt  }
0x63: {  	_ =	shalt  }
0x64: {  	_ =	shalt  }
0x65: {  	_ =	shalt  }
0x66: {  	_ =	shalt  }
0x67: {  	_ =	shalt  }
0x68: {  	_ =	shalt  }
0x69: {  	_ =	shalt  }
0x6a: {  	_ =	shalt  }
0x6b: {  	_ =	shalt  }
0x6c: {  	_ =	shalt  }
0x6d: {  	_ =	shalt  }
0x6e: {  	_ =	shalt  }
0x6f: {  	_ =	shalt  }
0x70: {  	_ =	shalt  }
0x71: {  	_ =	shalt  }
0x72: {  	_ =	shalt  }
0x73: {  	_ =	shalt  }
0x74: {  	_ =	shalt  }
0x75: {  	_ =	shalt  }
0x76: {  	_ =	shalt  }
0x77: {  	_ =	shalt  }
0x78: {  	_ =	shalt  }
0x79: {  	_ =	shalt  }
0x7a: {  	_ =	shalt  }
0x7b: {  	_ =	shalt  }
0x7c: {  	_ =	shalt  }
0x7d: {  	_ =	shalt  }
0x7e: {  	_ =	shalt  }
0x7f: {  	_ =	shalt  }
0x80: {  	_ =	shalt  }
0x81: {  	_ =	shalt  }
0x82: {  	_ =	shalt  }
0x83: {  	_ =	shalt  }
0x84: {  	_ =	shalt  }
0x85: {  	_ =	shalt  }
0x86: {  	_ =	shalt  }
0x87: {  	_ =	shalt  }
.Lfunc_end0:
.L_simem_size_0:
called_computation_lowered:
.L_overlay_start_0:
0x88: {  	s2 =	sld [smem:$0x3FD9]  }
0x89: {  	s3 =	sld [smem:$0x3FFE];
	_ =	sdelay $0x1  }
0x8a: {  	s1 =	srdreg.scid  }
0x8b: {  	s0 =	sand.u32 $0x1, s1  }
0x8c: {  	s17 =	sshll.u32 s0, $0xA;
	s2 =	sadd.s32 s3, s2  }
0x8d: {  	s2 =	sadd.s32 s2, s17  }
0x8e: {  	[smem:$0x3FC6] =	sst s2  }
0x8f: {  	_ = 	snop  }
0x90: {  	s2 =	sld [smem:$0x3FC8]  }
0x91: {  	s18 =	sld [smem:$0x3FD0];
	(tm) =	ssettm $0x1  }
0x92: {  	s4 =	sld [smem:$0x3FFB];
	_ =	sdelay $0x3  }
0x93: {  	_ =	strace s4  }
0x94: {  	s4 =	sld [smem:$0x3FFC];
	_ =	sdelay $0x3  }
0x95: {  	_ =	strace s4  }
0x96: {  	s4 =	sld [smem:$0x3FFD];
	_ =	sdelay $0x3  }
0x97: {  	_ =	strace s4  }
0x98: {  	_ =	strace $0x8FFFFFFF  }
0x99: {  	s19 =	sld [smem:$0x3FDB];
	_ =	sdelay $0x1  }
0x9a: {  	s5 =	simm.s32 $_scs_section_size  }
0x9b: {  	s6 =	simm.s32 $_size__tile_overlayer_lowered;
	s7 =	simm.s32 $_tile_overlayer_lowered  }
0x9c: {  	s22 =	simm.s32 $0x1BFF;
	s21 =	sshll.u32 s7, $0x1;
	s4 =	sadd.s32 s5, s19  }
0x9d: {  	s8 =	simm.s32 $0x0;
	s20 =	sshll.u32 s6, $0x1;
	s6 =	sadd.s32 s21, s4  }
0x9e: {  	[timem:s8], [sflag:s22] =	dma.local [hbm:s6], s20  }
0x9f: {  	_ =	swait.ge [sflag:s22], s20  }
0xa0: {  	s5 =	ssub.s32 $0x0, s20;
	[sflag:s22] =	ssyncset.done $0x0  }
0xa1: {  	[sflag:s22] =	ssyncadd.s32 s5;
	_ =	sdelay $0x1  }
0xa2: {  	s23 =	simm.s32 $0x1B8B  }
0xa3: {  	_ =	swait.ge [sflag:s23], $0x1  }
0xa4: {  	[sflag:s23] =	ssyncset.done $0x0  }
0xa5: {  	s25 =	simm.s32 $0x1B8E;
	s24 =	sld [smem:$0x3FFE];
	[sflag:s23] =	ssyncadd.s32 $0xFFFFFFFF  }
0xa6: {  	s26 =	simm.s32 $execute0_lowered;
	[smem:$0x3FD2] =	sst s25  }
0xa7: {  	s6 =	sshll.u32 s26, $0x1;
	_ =	strace $0x80000046;
	[dreg:$0x1] =	wrdreg $0xFFFFFFFF  }
0xa8: {  	s28 =	simm.s32 $_size_execute0_lowered;
	s4 =	sadd.s32 s4, s6;
	[dreg:$0x0] =	wrdreg $0x0  }
0xa9: {  	s6 =	sshll.u32 s28, $0x1;
	[dreg:$0x2] =	wrdreg s4  }
0xaa: {  	[dreg:$0x3] =	wrdreg s6  }
0xab: {  	[dreg:$0x4] =	wrdreg $0xC0  }
0xac: {  	_ =	task [dreg:s8], $0x5FFFF  }
0xad: {  	[dreg:$0x1] =	wrdreg $0xFFFFFFFF  }
0xae: {  	[dreg:$0x0] =	wrdreg $0x60  }
0xaf: {  	[dreg:$0x2] =	wrdreg s24  }
0xb0: {  	[dreg:$0x3] =	wrdreg s2  }
0xb1: {  	[dreg:$0x4] =	wrdreg s18  }
0xb2: {  	[dreg:$0x5] =	wrdreg $0x9  }
0xb3: {  	_ =	task.clear_ibuf [dreg:s8], $0x6FFFF;
	_ =	strace $0x90000046  }
0xb4: {  	s29 =	simm.s32 $0x9;
	_ =	strace $0x80000048  }
0xb5: {  	_ =	swait.ge [sflag:s29], $0x1  }
0xb6: {  	[sflag:s29] =	ssyncadd.s32 $0xFFFFFFFF  }
0xb7: {  	_ =	strace $0x90000048  }
0xb8: {  	_ =	sfence  }
0xb9: {  	s30 =	sld [smem:$0x0];
	_ =	sdelay $0x2  }
0xba: {  	s31 =	sshll.u32 s1, $0xD;
	s1 =	sshrl.u32 s1, $0x2  }
0xbb: {  	s3 =	sand.u32 $0x4000, s31;
	s1 =	sadd.s32 s1, s30  }
0xbc: {  	s0 =	sor.u32 s3, s0;
	s1 =	sshll.u32 s1, $0x11  }
0xbd: {  	s0 =	sor.u32 s1, s0  }
0xbe: {  	s0 =	sadd.s32 $0x8F2B, s0  }
0xbf: {  	[sflag:s0] =	ssyncadd.remote.s32 $0x1  }
0xc0: {  	_ =	sfence.sel $0xFFFF  }
0xc1: {  	[dreg:$0x0] =	wrdreg $0xFFFFFFFF;
	(pc) =	sbr.abs _section_cstart, $3  }
0xc2: {  	[dreg:$0x1] =	wrdreg $0xFFFFFFFF  }
0xc3: {  	_ =	task.clear_ibuf [dreg:s8], $0x2FFFF;
	_ =	strace $0x9FFFFFFF  }
0xc4: {  	(tm) =	ssettm $0x7FFFFFFF  }
0xc5: {  	_ =	shalt  }
tec
execute0_lowered:
.L_overlay_start_1:
0x0: {  	(tag) =	ssettag $0x1  }
0x1: {  	s4 =	rddreg [dreg:$0x0]  }
0x2: {  	s0 =	srdreg.scid;
	s2 =	rddreg [dreg:$0x1]  }
0x3: {  	s10 =	stileid.u32;
	s7 =	rddreg [dreg:$0x2]  }
0x4: {  	s3 =	simm.s32 $0x0;
	s12 =	simm.s32 $0x2900;
	s14 =	simm.s32 $0x3100  }
0x5: {  	s15 =	simm.s32 $0x3900;
	s16 =	simm.s32 $0x4100;
	s17 =	simm.s32 $0x4900  }
0x6: {  	s13 =	simm.s32 $0x8100;
	s28 =	simm.s32 $0x8900;
	s29 =	simm.s32 $0x1  }
0x7: {  	s19 =	simm.s32 $0x9100;
	s30 =	simm.s32 $0x9900;
	s18 =	simm.s32 $0x2  }
0x8: {  	s0 =	sand.u32 $0x1, s0;
	s1 =	sshll.u32 s10, $0x1;
	s10 =	smul.u32 $0x3200, s10  }
0x9: {  	s1 =	sor.u32 s0, s1;
	s6 =	ssub.s32 $0x2, s0;
	s0 =	smul.u32 $0x1900, s0  }
0xa: {  	[smem:$0x7FF] =	sst s3;
	s1 =	smul.u32 $0x1900, s1;
	s9 =	sshrl.u32 s6, $0x1  }
0xb: {  	s31 =	simm.s32 $0x4;
	_ =	strace $0x80000047;
	s9 =	ssub.s32 s6, s9  }
0xc: {  	s6 =	sadd.s32 $0x200, s2;
	s0 =	sadd.s32 s0, s10;
	s5 =	sshrl.u32 s1, $0x3  }
0xd: {  	s1 =	sadd.s32 $0x18D8, s1;
	s21 =	sor.u32 $0xA0, s0;
	s22 =	sor.u32 $0xC8, s0  }
0xe: {  	s10 =	sor.u32 $0x78, s0;
	s0 =	sor.u32 $0xF0, s0;
	s26 =	smax.u32 s9, $0x1  }
0xf: {  	s9 =	simm.s32 $0x2100;
	s8 =	smul.u32 $0x300, s5;
	s4 =	sadd.s32 s5, s4  }
0x10: {  	s5 =	sadd.s32 $0x100, s2;
	s1 =	sshrl.u32 s1, $0x3;
	s10 =	sshrl.u32 s10, $0x3  }
0x11: {  	s0 =	sshrl.u32 s0, $0x3;
	[dreg:$0xd] =	wrdreg s26;
	s1 =	smul.u32 $0x300, s1  }
0x12: {  	s26 =	simm.s32 $0x1900;
	s4 =	sadd.s32 $0x400, s4;
	s10 =	smul.u32 $0x300, s10  }
0x13: {  	s0 =	smul.u32 $0x300, s0;
	[dreg:$0x8] =	wrdreg s4;
	s11 =	sadd.s32 s7, s8  }
0x14: {  	s4 =	sshrl.u32 s21, $0x3;
	s8 =	sshrl.u32 s22, $0x3;
	s21 =	simm.s32 $0x5900  }
0x15: {  	s22 =	simm.s32 $0x6100;
	s20 =	sadd.s32 $0xF00, s11;
	[dreg:$0x9] =	wrdreg s11  }
0x16: {  	s4 =	smul.u32 $0x300, s4;
	s24 =	sadd.s32 $0x1E00, s11;
	[dreg:$0xa] =	wrdreg s20  }
0x17: {  	s8 =	smul.u32 $0x300, s8;
	s1 =	sadd.s32 s7, s1;
	[dreg:$0xb] =	wrdreg s24  }
0x18: {  	s25 =	sadd.s32 s10, s7;
	s0 =	sadd.s32 s0, s7;
	[dreg:$0xc] =	wrdreg s1  }
0x19: {  	s10 =	simm.s32 $0x3;
	s11 =	simm.s32 $0x18100;
	[dreg:$0x6] =	wrdreg s25  }
0x1a: {  	[dreg:$0x7] =	wrdreg s0;
	s20 =	simm.s32 $0x5100;
	s24 =	simm.s32 $0x7100  }
0x1b: {  	s25 =	simm.s32 $0x7900;
	s1 =	simm.s32 $0x5;
	s4 =	sadd.s32 s4, s7  }
0x1c: {  	v2 =	vlaneseq.u32;
	s0 =	simm.s32 $0x6;
	s23 =	sadd.s32 s8, s7;
	[dreg:$0x4] =	wrdreg s4  }
0x1d: {  	vm0 =	vmmov $0xffff;
	v1 =	vshrl.u32 v2, $0x3;
	s8 =	simm.s32 $0x8;
	s7 =	simm.s32 $0x0;
	[dreg:$0x5] =	wrdreg s23  }
0x1e: {  	v0 =	vand.u32 $0x7, v2;
	v2 =	vor.u32 $0x8, v2;
	v1 =	vmul.u32 $0x8, v1;
	s23 =	simm.s32 $0x6900;
	s4 =	simm.s32 $0x7;
	[dreg:$0xe] =	wrdreg s7  }
.LBB2_1:
0x1f: {  	s7 =	rddreg [dreg:$0x8]  }
0x20: {  	[tilespmem:s3], [sflag:$0x9] =	stream.linear.gather [hbm4b:s7+s3], $0x1900, $0x38;
	[tilespmem:$0x1F900] =	vst v63  }
0x21: {  	s7 =	simm.s32 $0x9  }
0x22: {  	_ =	swait.ge [sflag:s7], $0x1900  }
0x23: {  	[sflag:s7] =	ssyncset.done $0x0  }
0x24: {  	[sflag:s7] =	ssyncadd.s32 $0xFFFFE700  }
0x25: {  	v3 =	vld [tilespmem:$0x0];
	_ =	sdelay $0x4  }
0x26: {  	v4 =	vshrl.u32 v3, $0x3  }
0x27: {  	v4 =	vmul.u32 $0x30, v4  }
0x28: {  	v3 =	vand.u32 $0x7, v3  }
0x29: {  	v3 =	vor.u32 v3, v4  }
0x2a: {  	v4 =	vperm.xlane v3, v0;
	_ =	sdelay $0x1  }
0x2b: {  	v4 =	vadd.s32 v1, v4;
	_ =	sdelay $0x3  }
0x2c: {  	v3 =	vperm.xlane v3, v2  }
0x2d: {  	[tilespmem:s26], [sflag:$0x1] =	stream.indirect_vreg.gather [hbm4b:s2+s3], $0x80, v4, vm0, $0xb8;
	[tilespmem:$0x1F900] =	vst v63  }
0x2e: {  	v3 =	vadd.s32 v1, v3  }
0x2f: {  	[tilespmem:s9], [sflag:$0x1] =	stream.indirect_vreg.gather [hbm4b:s5+s3], $0x80, v4, vm0, $0xb8;
	[tilespmem:$0x1F900] =	vst v63  }
0x30: {  	_ = 	snop  }
0x31: {  	[tilespmem:s12], [sflag:$0x1] =	stream.indirect_vreg.gather [hbm4b:s6+s3], $0x80, v4, vm0, $0xb8;
	[tilespmem:$0x1F900] =	vst v63  }
0x32: {  	_ = 	snop  }
0x33: {  	[tilespmem:s14], [sflag:$0x1] =	stream.indirect_vreg.gather [hbm4b:s2+s3], $0x80, v3, vm0, $0xb8;
	[tilespmem:$0x1F900] =	vst v63  }
0x34: {  	_ = 	snop  }
0x35: {  	[tilespmem:s15], [sflag:$0x1] =	stream.indirect_vreg.gather [hbm4b:s5+s3], $0x80, v3, vm0, $0xb8;
	[tilespmem:$0x1F900] =	vst v63  }
0x36: {  	_ = 	snop  }
0x37: {  	[tilespmem:s16], [sflag:$0x1] =	stream.indirect_vreg.gather [hbm4b:s6+s3], $0x80, v3, vm0, $0xb8;
	[tilespmem:$0x1F900] =	vst v63  }
0x38: {  	v3 =	vld [tilespmem:$0x10];
	_ =	sdelay $0x4  }
0x39: {  	v53 =	vshrl.u32 v3, $0x3  }
0x3a: {  	v4 =	vmul.u32 $0x30, v53  }
0x3b: {  	v3 =	vand.u32 $0x7, v3  }
0x3c: {  	v3 =	vor.u32 v3, v4  }
0x3d: {  	v4 =	vperm.xlane v3, v0;
	_ =	sdelay $0x1  }
0x3e: {  	v4 =	vadd.s32 v1, v4;
	_ =	sdelay $0x3  }
0x3f: {  	v3 =	vperm.xlane v3, v2  }
0x40: {  	[tilespmem:s17], [sflag:$0x1] =	stream.indirect_vreg.gather [hbm4b:s2+s3], $0x80, v4, vm0, $0xb8;
	[tilespmem:$0x1F900] =	vst v63  }
0x41: {  	v3 =	vadd.s32 v1, v3  }
0x42: {  	[tilespmem:s20], [sflag:$0x1] =	stream.indirect_vreg.gather [hbm4b:s5+s3], $0x80, v4, vm0, $0xb8;
	[tilespmem:$0x1F900] =	vst v63  }
0x43: {  	_ = 	snop  }
0x44: {  	[tilespmem:s21], [sflag:$0x1] =	stream.indirect_vreg.gather [hbm4b:s6+s3], $0x80, v4, vm0, $0xb8;
	[tilespmem:$0x1F900] =	vst v63  }
0x45: {  	_ = 	snop  }
0x46: {  	[tilespmem:s22], [sflag:$0x1] =	stream.indirect_vreg.gather [hbm4b:s2+s3], $0x80, v3, vm0, $0xb8;
	[tilespmem:$0x1F900] =	vst v63  }
0x47: {  	_ = 	snop  }
0x48: {  	[tilespmem:s23], [sflag:$0x1] =	stream.indirect_vreg.gather [hbm4b:s5+s3], $0x80, v3, vm0, $0xb8;
	[tilespmem:$0x1F900] =	vst v63  }
0x49: {  	_ = 	snop  }
0x4a: {  	[tilespmem:s24], [sflag:$0x1] =	stream.indirect_vreg.gather [hbm4b:s6+s3], $0x80, v3, vm0, $0xb8;
	[tilespmem:$0x1F900] =	vst v63  }
0x4b: {  	v3 =	vld.msk [tilespmem:$0x20], $0xff;
	_ =	sdelay $0x4  }
0x4c: {  	v54 =	vshrl.u32 v3, $0x3  }
0x4d: {  	v4 =	vmul.u32 $0x30, v54  }
0x4e: {  	v3 =	vand.u32 $0x7, v3  }
0x4f: {  	v3 =	vor.u32 v3, v4  }
0x50: {  	v3 =	vperm.xlane v3, v0;
	_ =	sdelay $0x1  }
0x51: {  	v3 =	vadd.s32 v1, v3;
	_ =	sdelay $0x4  }
0x52: {  	[tilespmem:s25], [sflag:$0x1] =	stream.indirect_vreg.gather [hbm4b:s2+s3], $0x80, v3, vm0, $0xb8;
	[tilespmem:$0x1F900] =	vst v63  }
0x53: {  	_ = 	snop  }
0x54: {  	[tilespmem:s13], [sflag:$0x1] =	stream.indirect_vreg.gather [hbm4b:s5+s3], $0x80, v3, vm0, $0xb8;
	[tilespmem:$0x1F900] =	vst v63  }
0x55: {  	_ = 	snop  }
0x56: {  	[tilespmem:s28], [sflag:$0x1] =	stream.indirect_vreg.gather [hbm4b:s6+s3], $0x80, v3, vm0, $0xb8;
	[tilespmem:$0x1F900] =	vst v63  }
0x57: {  	_ =	swait.ge [sflag:s29], $0x7800  }
0x58: {  	[sflag:s29] =	ssyncset.done $0x0  }
0x59: {  	s12 =	rddreg [dreg:$0x9];
	[sflag:s29] =	ssyncadd.s32 $0xFFFF8800  }
0x5a: {  	[hbm4b:s12+s3] =	stream.linear.scatter [tilespmem:s26], [sflag:$0x5], $0x7800, $0x38;
	[tilespmem:$0x1F900] =	vst v63  }
0x5b: {  	v3 =	vld [tilespmem:$0x28];
	_ =	sdelay $0x4  }
0x5c: {  	v55 =	vshrl.u32 v3, $0x3  }
0x5d: {  	v4 =	vmul.u32 $0x30, v55  }
0x5e: {  	v3 =	vand.u32 $0x7, v3  }
0x5f: {  	v3 =	vor.u32 v3, v4  }
0x60: {  	v4 =	vperm.xlane v3, v0;
	_ =	sdelay $0x1  }
0x61: {  	v4 =	vadd.s32 v1, v4;
	_ =	sdelay $0x3  }
0x62: {  	v3 =	vperm.xlane v3, v2  }
0x63: {  	[tilespmem:s19], [sflag:$0x2] =	stream.indirect_vreg.gather [hbm4b:s2+s3], $0x80, v4, vm0, $0xb8;
	[tilespmem:$0x1F900] =	vst v63  }
0x64: {  	v3 =	vadd.s32 v1, v3  }
0x65: {  	[tilespmem:s30], [sflag:$0x2] =	stream.indirect_vreg.gather [hbm4b:s5+s3], $0x80, v4, vm0, $0xb8;
	[tilespmem:$0x1F900] =	vst v63  }
0x66: {  	s13 =	simm.s32 $0xA100  }
0x67: {  	[tilespmem:s13], [sflag:$0x2] =	stream.indirect_vreg.gather [hbm4b:s6+s3], $0x80, v4, vm0, $0xb8;
	[tilespmem:$0x1F900] =	vst v63  }
0x68: {  	s14 =	simm.s32 $0xA900  }
0x69: {  	[tilespmem:s14], [sflag:$0x2] =	stream.indirect_vreg.gather [hbm4b:s2+s3], $0x80, v3, vm0, $0xb8;
	[tilespmem:$0x1F900] =	vst v63  }
0x6a: {  	s15 =	simm.s32 $0xB100  }
0x6b: {  	[tilespmem:s15], [sflag:$0x2] =	stream.indirect_vreg.gather [hbm4b:s5+s3], $0x80, v3, vm0, $0xb8;
	[tilespmem:$0x1F900] =	vst v63  }
0x6c: {  	s16 =	simm.s32 $0xB900  }
0x6d: {  	[tilespmem:s16], [sflag:$0x2] =	stream.indirect_vreg.gather [hbm4b:s6+s3], $0x80, v3, vm0, $0xb8;
	[tilespmem:$0x1F900] =	vst v63  }
0x6e: {  	v3 =	vld [tilespmem:$0x38];
	_ =	sdelay $0x4  }
0x6f: {  	v56 =	vshrl.u32 v3, $0x3  }
0x70: {  	v4 =	vmul.u32 $0x30, v56  }
0x71: {  	v3 =	vand.u32 $0x7, v3  }
0x72: {  	v3 =	vor.u32 v3, v4  }
0x73: {  	v4 =	vperm.xlane v3, v0;
	_ =	sdelay $0x1  }
0x74: {  	v4 =	vadd.s32 v1, v4;
	_ =	sdelay $0x3  }
0x75: {  	s17 =	simm.s32 $0xC100;
	v3 =	vperm.xlane v3, v2  }
0x76: {  	[tilespmem:s17], [sflag:$0x2] =	stream.indirect_vreg.gather [hbm4b:s2+s3], $0x80, v4, vm0, $0xb8;
	[tilespmem:$0x1F900] =	vst v63  }
0x77: {  	s20 =	simm.s32 $0xC900;
	v3 =	vadd.s32 v1, v3  }
0x78: {  	[tilespmem:s20], [sflag:$0x2] =	stream.indirect_vreg.gather [hbm4b:s5+s3], $0x80, v4, vm0, $0xb8;
	[tilespmem:$0x1F900] =	vst v63  }
0x79: {  	s21 =	simm.s32 $0xD100  }
0x7a: {  	[tilespmem:s21], [sflag:$0x2] =	stream.indirect_vreg.gather [hbm4b:s6+s3], $0x80, v4, vm0, $0xb8;
	[tilespmem:$0x1F900] =	vst v63  }
0x7b: {  	s22 =	simm.s32 $0xD900  }
0x7c: {  	[tilespmem:s22], [sflag:$0x2] =	stream.indirect_vreg.gather [hbm4b:s2+s3], $0x80, v3, vm0, $0xb8;
	[tilespmem:$0x1F900] =	vst v63  }
0x7d: {  	s23 =	simm.s32 $0xE100  }
0x7e: {  	[tilespmem:s23], [sflag:$0x2] =	stream.indirect_vreg.gather [hbm4b:s5+s3], $0x80, v3, vm0, $0xb8;
	[tilespmem:$0x1F900] =	vst v63  }
0x7f: {  	s24 =	simm.s32 $0xE900  }
0x80: {  	[tilespmem:s24], [sflag:$0x2] =	stream.indirect_vreg.gather [hbm4b:s6+s3], $0x80, v3, vm0, $0xb8;
	[tilespmem:$0x1F900] =	vst v63  }
0x81: {  	v3 =	vld.msk [tilespmem:$0x48], $0xff;
	_ =	sdelay $0x4  }
0x82: {  	v57 =	vshrl.u32 v3, $0x3  }
0x83: {  	v4 =	vmul.u32 $0x30, v57  }
0x84: {  	v3 =	vand.u32 $0x7, v3  }
0x85: {  	v3 =	vor.u32 v3, v4  }
0x86: {  	v3 =	vperm.xlane v3, v0;
	_ =	sdelay $0x1  }
0x87: {  	v3 =	vadd.s32 v1, v3;
	_ =	sdelay $0x3  }
0x88: {  	s25 =	simm.s32 $0xF100  }
0x89: {  	[tilespmem:s25], [sflag:$0x2] =	stream.indirect_vreg.gather [hbm4b:s2+s3], $0x80, v3, vm0, $0xb8;
	[tilespmem:$0x1F900] =	vst v63  }
0x8a: {  	s26 =	simm.s32 $0xF900  }
0x8b: {  	[tilespmem:s26], [sflag:$0x2] =	stream.indirect_vreg.gather [hbm4b:s5+s3], $0x80, v3, vm0, $0xb8;
	[tilespmem:$0x1F900] =	vst v63  }
0x8c: {  	s9 =	simm.s32 $0x10100  }
0x8d: {  	[tilespmem:s9], [sflag:$0x2] =	stream.indirect_vreg.gather [hbm4b:s6+s3], $0x80, v3, vm0, $0xb8;
	[tilespmem:$0x1F900] =	vst v63  }
0x8e: {  	_ =	swait.ge [sflag:s18], $0x7800  }
0x8f: {  	[sflag:s18] =	ssyncset.done $0x0  }
0x90: {  	s12 =	rddreg [dreg:$0xa];
	[sflag:s18] =	ssyncadd.s32 $0xFFFF8800  }
0x91: {  	[hbm4b:s12+s3] =	stream.linear.scatter [tilespmem:s19], [sflag:$0x6], $0x7800, $0x38;
	[tilespmem:$0x1F900] =	vst v63  }
0x92: {  	v3 =	vld [tilespmem:$0x50];
	_ =	sdelay $0x4  }
0x93: {  	v58 =	vshrl.u32 v3, $0x3  }
0x94: {  	v4 =	vmul.u32 $0x30, v58  }
0x95: {  	v3 =	vand.u32 $0x7, v3  }
0x96: {  	v3 =	vor.u32 v3, v4  }
0x97: {  	v4 =	vperm.xlane v3, v0;
	_ =	sdelay $0x1  }
0x98: {  	v4 =	vadd.s32 v1, v4;
	_ =	sdelay $0x3  }
0x99: {  	s26 =	simm.s32 $0x10900;
	v3 =	vperm.xlane v3, v2  }
0x9a: {  	[tilespmem:s26], [sflag:$0x3] =	stream.indirect_vreg.gather [hbm4b:s2+s3], $0x80, v4, vm0, $0xb8;
	[tilespmem:$0x1F900] =	vst v63  }
0x9b: {  	s13 =	simm.s32 $0x11100;
	v3 =	vadd.s32 v1, v3  }
0x9c: {  	[tilespmem:s13], [sflag:$0x3] =	stream.indirect_vreg.gather [hbm4b:s5+s3], $0x80, v4, vm0, $0xb8;
	[tilespmem:$0x1F900] =	vst v63  }
0x9d: {  	s14 =	simm.s32 $0x11900  }
0x9e: {  	[tilespmem:s14], [sflag:$0x3] =	stream.indirect_vreg.gather [hbm4b:s6+s3], $0x80, v4, vm0, $0xb8;
	[tilespmem:$0x1F900] =	vst v63  }
0x9f: {  	s15 =	simm.s32 $0x12100  }
0xa0: {  	[tilespmem:s15], [sflag:$0x3] =	stream.indirect_vreg.gather [hbm4b:s2+s3], $0x80, v3, vm0, $0xb8;
	[tilespmem:$0x1F900] =	vst v63  }
0xa1: {  	s16 =	simm.s32 $0x12900  }
0xa2: {  	[tilespmem:s16], [sflag:$0x3] =	stream.indirect_vreg.gather [hbm4b:s5+s3], $0x80, v3, vm0, $0xb8;
	[tilespmem:$0x1F900] =	vst v63  }
0xa3: {  	s17 =	simm.s32 $0x13100  }
0xa4: {  	[tilespmem:s17], [sflag:$0x3] =	stream.indirect_vreg.gather [hbm4b:s6+s3], $0x80, v3, vm0, $0xb8;
	[tilespmem:$0x1F900] =	vst v63  }
0xa5: {  	v3 =	vld [tilespmem:$0x60];
	_ =	sdelay $0x4  }
0xa6: {  	v59 =	vshrl.u32 v3, $0x3  }
0xa7: {  	v4 =	vmul.u32 $0x30, v59  }
0xa8: {  	v3 =	vand.u32 $0x7, v3  }
0xa9: {  	v3 =	vor.u32 v3, v4  }
0xaa: {  	v4 =	vperm.xlane v3, v0;
	_ =	sdelay $0x1  }
0xab: {  	v4 =	vadd.s32 v1, v4;
	_ =	sdelay $0x3  }
0xac: {  	s19 =	simm.s32 $0x13900;
	v3 =	vperm.xlane v3, v2  }
0xad: {  	[tilespmem:s19], [sflag:$0x3] =	stream.indirect_vreg.gather [hbm4b:s2+s3], $0x80, v4, vm0, $0xb8;
	[tilespmem:$0x1F900] =	vst v63  }
0xae: {  	s20 =	simm.s32 $0x14100;
	v3 =	vadd.s32 v1, v3  }
0xaf: {  	[tilespmem:s20], [sflag:$0x3] =	stream.indirect_vreg.gather [hbm4b:s5+s3], $0x80, v4, vm0, $0xb8;
	[tilespmem:$0x1F900] =	vst v63  }
0xb0: {  	s21 =	simm.s32 $0x14900  }
0xb1: {  	[tilespmem:s21], [sflag:$0x3] =	stream.indirect_vreg.gather [hbm4b:s6+s3], $0x80, v4, vm0, $0xb8;
	[tilespmem:$0x1F900] =	vst v63  }
0xb2: {  	s22 =	simm.s32 $0x15100  }
0xb3: {  	[tilespmem:s22], [sflag:$0x3] =	stream.indirect_vreg.gather [hbm4b:s2+s3], $0x80, v3, vm0, $0xb8;
	[tilespmem:$0x1F900] =	vst v63  }
0xb4: {  	s23 =	simm.s32 $0x15900  }
0xb5: {  	[tilespmem:s23], [sflag:$0x3] =	stream.indirect_vreg.gather [hbm4b:s5+s3], $0x80, v3, vm0, $0xb8;
	[tilespmem:$0x1F900] =	vst v63  }
0xb6: {  	s24 =	simm.s32 $0x16100  }
0xb7: {  	[tilespmem:s24], [sflag:$0x3] =	stream.indirect_vreg.gather [hbm4b:s6+s3], $0x80, v3, vm0, $0xb8;
	[tilespmem:$0x1F900] =	vst v63  }
0xb8: {  	v3 =	vld.msk [tilespmem:$0x70], $0xff;
	_ =	sdelay $0x4  }
0xb9: {  	v60 =	vshrl.u32 v3, $0x3  }
0xba: {  	v4 =	vmul.u32 $0x30, v60  }
0xbb: {  	v3 =	vand.u32 $0x7, v3  }
0xbc: {  	v3 =	vor.u32 v3, v4  }
0xbd: {  	v3 =	vperm.xlane v3, v0;
	_ =	sdelay $0x1  }
0xbe: {  	v3 =	vadd.s32 v1, v3;
	_ =	sdelay $0x3  }
0xbf: {  	s25 =	simm.s32 $0x16900  }
0xc0: {  	[tilespmem:s25], [sflag:$0x3] =	stream.indirect_vreg.gather [hbm4b:s2+s3], $0x80, v3, vm0, $0xb8;
	[tilespmem:$0x1F900] =	vst v63  }
0xc1: {  	s9 =	simm.s32 $0x17100  }
0xc2: {  	[tilespmem:s9], [sflag:$0x3] =	stream.indirect_vreg.gather [hbm4b:s5+s3], $0x80, v3, vm0, $0xb8;
	[tilespmem:$0x1F900] =	vst v63  }
0xc3: {  	s12 =	simm.s32 $0x17900  }
0xc4: {  	[tilespmem:s12], [sflag:$0x3] =	stream.indirect_vreg.gather [hbm4b:s6+s3], $0x80, v3, vm0, $0xb8;
	[tilespmem:$0x1F900] =	vst v63  }
0xc5: {  	_ =	swait.ge [sflag:s10], $0x7800  }
0xc6: {  	[sflag:s10] =	ssyncset.done $0x0  }
0xc7: {  	s13 =	rddreg [dreg:$0xb];
	[sflag:s10] =	ssyncadd.s32 $0xFFFF8800  }
0xc8: {  	[hbm4b:s13+s3] =	stream.linear.scatter [tilespmem:s26], [sflag:$0x7], $0x7800, $0x38;
	[tilespmem:$0x1F900] =	vst v63  }
0xc9: {  	v3 =	vld [tilespmem:$0x78];
	_ =	sdelay $0x4  }
0xca: {  	v61 =	vshrl.u32 v3, $0x3  }
0xcb: {  	v4 =	vmul.u32 $0x30, v61  }
0xcc: {  	v3 =	vand.u32 $0x7, v3  }
0xcd: {  	v3 =	vor.u32 v3, v4  }
0xce: {  	v4 =	vperm.xlane v3, v0;
	_ =	sdelay $0x1  }
0xcf: {  	v4 =	vadd.s32 v1, v4;
	_ =	sdelay $0x3  }
0xd0: {  	v3 =	vperm.xlane v3, v2  }
0xd1: {  	[tilespmem:s11], [sflag:$0x4] =	stream.indirect_vreg.gather [hbm4b:s2+s3], $0x80, v4, vm0, $0xb8;
	[tilespmem:$0x1F900] =	vst v63  }
0xd2: {  	s14 =	simm.s32 $0x18900;
	v3 =	vadd.s32 v1, v3  }
0xd3: {  	[tilespmem:s14], [sflag:$0x4] =	stream.indirect_vreg.gather [hbm4b:s5+s3], $0x80, v4, vm0, $0xb8;
	[tilespmem:$0x1F900] =	vst v63  }
0xd4: {  	s15 =	simm.s32 $0x19100  }
0xd5: {  	[tilespmem:s15], [sflag:$0x4] =	stream.indirect_vreg.gather [hbm4b:s6+s3], $0x80, v4, vm0, $0xb8;
	[tilespmem:$0x1F900] =	vst v63  }
0xd6: {  	s16 =	simm.s32 $0x19900  }
0xd7: {  	[tilespmem:s16], [sflag:$0x4] =	stream.indirect_vreg.gather [hbm4b:s2+s3], $0x80, v3, vm0, $0xb8;
	[tilespmem:$0x1F900] =	vst v63  }
0xd8: {  	s17 =	simm.s32 $0x1A100  }
0xd9: {  	[tilespmem:s17], [sflag:$0x4] =	stream.indirect_vreg.gather [hbm4b:s5+s3], $0x80, v3, vm0, $0xb8;
	[tilespmem:$0x1F900] =	vst v63  }
0xda: {  	s19 =	simm.s32 $0x1A900  }
0xdb: {  	[tilespmem:s19], [sflag:$0x4] =	stream.indirect_vreg.gather [hbm4b:s6+s3], $0x80, v3, vm0, $0xb8;
	[tilespmem:$0x1F900] =	vst v63  }
0xdc: {  	v3 =	vld [tilespmem:$0x88];
	_ =	sdelay $0x4  }
0xdd: {  	v62 =	vshrl.u32 v3, $0x3  }
0xde: {  	v4 =	vmul.u32 $0x30, v62  }
0xdf: {  	v3 =	vand.u32 $0x7, v3  }
0xe0: {  	v3 =	vor.u32 v3, v4  }
0xe1: {  	v4 =	vperm.xlane v3, v0;
	_ =	sdelay $0x1  }
0xe2: {  	v4 =	vadd.s32 v1, v4;
	_ =	sdelay $0x3  }
0xe3: {  	s20 =	simm.s32 $0x1B100;
	v3 =	vperm.xlane v3, v2  }
0xe4: {  	[tilespmem:s20], [sflag:$0x4] =	stream.indirect_vreg.gather [hbm4b:s2+s3], $0x80, v4, vm0, $0xb8;
	[tilespmem:$0x1F900] =	vst v63  }
0xe5: {  	s21 =	simm.s32 $0x1B900;
	v3 =	vadd.s32 v1, v3  }
0xe6: {  	[tilespmem:s21], [sflag:$0x4] =	stream.indirect_vreg.gather [hbm4b:s5+s3], $0x80, v4, vm0, $0xb8;
	[tilespmem:$0x1F900] =	vst v63  }
0xe7: {  	s22 =	simm.s32 $0x1C100  }
0xe8: {  	[tilespmem:s22], [sflag:$0x4] =	stream.indirect_vreg.gather [hbm4b:s6+s3], $0x80, v4, vm0, $0xb8;
	[tilespmem:$0x1F900] =	vst v63  }
0xe9: {  	s23 =	simm.s32 $0x1C900  }
0xea: {  	[tilespmem:s23], [sflag:$0x4] =	stream.indirect_vreg.gather [hbm4b:s2+s3], $0x80, v3, vm0, $0xb8;
	[tilespmem:$0x1F900] =	vst v63  }
0xeb: {  	s24 =	simm.s32 $0x1D100  }
0xec: {  	[tilespmem:s24], [sflag:$0x4] =	stream.indirect_vreg.gather [hbm4b:s5+s3], $0x80, v3, vm0, $0xb8;
	[tilespmem:$0x1F900] =	vst v63  }
0xed: {  	s25 =	simm.s32 $0x1D900  }
0xee: {  	[tilespmem:s25], [sflag:$0x4] =	stream.indirect_vreg.gather [hbm4b:s6+s3], $0x80, v3, vm0, $0xb8;
	[tilespmem:$0x1F900] =	vst v63  }
0xef: {  	v3 =	vld.msk [tilespmem:$0x98], $0xff;
	_ =	sdelay $0x4  }
0xf0: {  	v63 =	vshrl.u32 v3, $0x3  }
0xf1: {  	v4 =	vmul.u32 $0x30, v63  }
0xf2: {  	v3 =	vand.u32 $0x7, v3  }
0xf3: {  	v3 =	vor.u32 v3, v4  }
0xf4: {  	v3 =	vperm.xlane v3, v0;
	_ =	sdelay $0x1  }
0xf5: {  	v3 =	vadd.s32 v1, v3  }
0xf6: {  	s7 =	simm.s32 $0x0  }
0xf7: {  	s28 =	simm.s32 $0x7900;
	s30 =	simm.s32 $0x1900;
	s9 =	simm.s32 $0x138  }
0xf8: {  	s13 =	simm.s32 $0x1E100;
	s14 =	simm.s32 $0x1E900;
	s15 =	simm.s32 $0x2900  }
0xf9: {  	s16 =	simm.s32 $0x8900;
	s17 =	simm.s32 $0x3900;
	s19 =	simm.s32 $0x9100  }
0xfa: {  	[tilespmem:s13], [sflag:$0x4] =	stream.indirect_vreg.gather [hbm4b:s2+s3], $0x80, v3, vm0, $0xb8;
	[tilespmem:$0x1F900] =	vst v63  }
0xfb: {  	s20 =	simm.s32 $0x1F100;
	s21 =	simm.s32 $0x4900;
	s22 =	simm.s32 $0x9900  }
0xfc: {  	[tilespmem:s14], [sflag:$0x4] =	stream.indirect_vreg.gather [hbm4b:s5+s3], $0x80, v3, vm0, $0xb8;
	[tilespmem:$0x1F900] =	vst v63  }
0xfd: {  	s23 =	simm.s32 $0x5900;
	s24 =	simm.s32 $0x6100;
	s25 =	simm.s32 $0x6900  }
0xfe: {  	[tilespmem:s20], [sflag:$0x4] =	stream.indirect_vreg.gather [hbm4b:s6+s3], $0x80, v3, vm0, $0xb8;
	[tilespmem:$0x1F900] =	vst v63  }
.LBB2_2:
0xff: {  	_ =	swait.ge [sflag:s31], $0x7800  }
0x100: {  	s12 =	rddreg [dreg:$0x6];
	[sflag:s31] =	ssyncset.done $0x0  }
0x101: {  	[sflag:s31] =	ssyncadd.s32 $0xFFFF8800;
	s12 =	sadd.s32 s7, s12  }
0x102: {  	[hbm4b:s12+s3] =	stream.linear.scatter [tilespmem:s11], [sflag:$0x8], $0x7800, $0x38;
	[tilespmem:$0x1F900] =	vst v63  }
0x103: {  	_ =	swait.ge [sflag:s1], $0x7800  }
0x104: {  	[sflag:s1] =	ssyncset.done $0x0  }
0x105: {  	[sflag:s1] =	ssyncadd.s32 $0xFFFF8800  }
0x106: {  	v3 =	vld [tilespmem:s9+$0xFFFFFF68];
	_ =	sdelay $0x4  }
0x107: {  	v4 =	vshrl.u32 v3, $0x3  }
0x108: {  	v4 =	vmul.u32 $0x30, v4  }
0x109: {  	v3 =	vand.u32 $0x7, v3  }
0x10a: {  	v3 =	vor.u32 v3, v4  }
0x10b: {  	v4 =	vperm.xlane v3, v0;
	_ =	sdelay $0x1  }
0x10c: {  	v4 =	vadd.s32 v1, v4;
	_ =	sdelay $0x3  }
0x10d: {  	v3 =	vperm.xlane v3, v2  }
0x10e: {  	[tilespmem:s30], [sflag:$0x1] =	stream.indirect_vreg.gather [hbm4b:s2+s3], $0x80, v4, vm0, $0xb8;
	[tilespmem:$0x1F900] =	vst v63  }
0x10f: {  	s12 =	simm.s32 $0x2100;
	v3 =	vadd.s32 v1, v3  }
0x110: {  	[tilespmem:s12], [sflag:$0x1] =	stream.indirect_vreg.gather [hbm4b:s5+s3], $0x80, v4, vm0, $0xb8;
	[tilespmem:$0x1F900] =	vst v63  }
0x111: {  	_ = 	snop  }
0x112: {  	[tilespmem:s15], [sflag:$0x1] =	stream.indirect_vreg.gather [hbm4b:s6+s3], $0x80, v4, vm0, $0xb8;
	[tilespmem:$0x1F900] =	vst v63  }
0x113: {  	s12 =	simm.s32 $0x3100  }
0x114: {  	[tilespmem:s12], [sflag:$0x1] =	stream.indirect_vreg.gather [hbm4b:s2+s3], $0x80, v3, vm0, $0xb8;
	[tilespmem:$0x1F900] =	vst v63  }
0x115: {  	_ = 	snop  }
0x116: {  	[tilespmem:s17], [sflag:$0x1] =	stream.indirect_vreg.gather [hbm4b:s5+s3], $0x80, v3, vm0, $0xb8;
	[tilespmem:$0x1F900] =	vst v63  }
0x117: {  	s12 =	simm.s32 $0x4100  }
0x118: {  	[tilespmem:s12], [sflag:$0x1] =	stream.indirect_vreg.gather [hbm4b:s6+s3], $0x80, v3, vm0, $0xb8;
	[tilespmem:$0x1F900] =	vst v63  }
0x119: {  	v3 =	vld [tilespmem:s9+$0xFFFFFF78];
	_ =	sdelay $0x4  }
0x11a: {  	v53 =	vshrl.u32 v3, $0x3  }
0x11b: {  	v4 =	vmul.u32 $0x30, v53  }
0x11c: {  	v3 =	vand.u32 $0x7, v3  }
0x11d: {  	v3 =	vor.u32 v3, v4  }
0x11e: {  	v4 =	vperm.xlane v3, v0;
	_ =	sdelay $0x1  }
0x11f: {  	v4 =	vadd.s32 v1, v4;
	_ =	sdelay $0x3  }
0x120: {  	v3 =	vperm.xlane v3, v2  }
0x121: {  	[tilespmem:s21], [sflag:$0x1] =	stream.indirect_vreg.gather [hbm4b:s2+s3], $0x80, v4, vm0, $0xb8;
	[tilespmem:$0x1F900] =	vst v63  }
0x122: {  	s12 =	simm.s32 $0x5100;
	v3 =	vadd.s32 v1, v3  }
0x123: {  	[tilespmem:s12], [sflag:$0x1] =	stream.indirect_vreg.gather [hbm4b:s5+s3], $0x80, v4, vm0, $0xb8;
	[tilespmem:$0x1F900] =	vst v63  }
0x124: {  	_ = 	snop  }
0x125: {  	[tilespmem:s23], [sflag:$0x1] =	stream.indirect_vreg.gather [hbm4b:s6+s3], $0x80, v4, vm0, $0xb8;
	[tilespmem:$0x1F900] =	vst v63  }
0x126: {  	_ = 	snop  }
0x127: {  	[tilespmem:s24], [sflag:$0x1] =	stream.indirect_vreg.gather [hbm4b:s2+s3], $0x80, v3, vm0, $0xb8;
	[tilespmem:$0x1F900] =	vst v63  }
0x128: {  	_ = 	snop  }
0x129: {  	[tilespmem:s25], [sflag:$0x1] =	stream.indirect_vreg.gather [hbm4b:s5+s3], $0x80, v3, vm0, $0xb8;
	[tilespmem:$0x1F900] =	vst v63  }
0x12a: {  	s12 =	simm.s32 $0x7100  }
0x12b: {  	[tilespmem:s12], [sflag:$0x1] =	stream.indirect_vreg.gather [hbm4b:s6+s3], $0x80, v3, vm0, $0xb8;
	[tilespmem:$0x1F900] =	vst v63  }
0x12c: {  	v3 =	vld.msk [tilespmem:s9+$0xFFFFFF88], $0xff;
	_ =	sdelay $0x4  }
0x12d: {  	v54 =	vshrl.u32 v3, $0x3  }
0x12e: {  	v4 =	vmul.u32 $0x30, v54  }
0x12f: {  	v3 =	vand.u32 $0x7, v3  }
0x130: {  	v3 =	vor.u32 v3, v4  }
0x131: {  	v3 =	vperm.xlane v3, v0;
	_ =	sdelay $0x1  }
0x132: {  	v3 =	vadd.s32 v1, v3;
	_ =	sdelay $0x4  }
0x133: {  	[tilespmem:s28], [sflag:$0x1] =	stream.indirect_vreg.gather [hbm4b:s2+s3], $0x80, v3, vm0, $0xb8;
	[tilespmem:$0x1F900] =	vst v63  }
0x134: {  	s12 =	simm.s32 $0x8100  }
0x135: {  	[tilespmem:s12], [sflag:$0x1] =	stream.indirect_vreg.gather [hbm4b:s5+s3], $0x80, v3, vm0, $0xb8;
	[tilespmem:$0x1F900] =	vst v63  }
0x136: {  	_ = 	snop  }
0x137: {  	[tilespmem:s16], [sflag:$0x1] =	stream.indirect_vreg.gather [hbm4b:s6+s3], $0x80, v3, vm0, $0xb8;
	[tilespmem:$0x1F900] =	vst v63  }
0x138: {  	_ =	swait.ge [sflag:s29], $0x7800  }
0x139: {  	s12 =	rddreg [dreg:$0x4];
	[sflag:s29] =	ssyncset.done $0x0  }
0x13a: {  	[sflag:s29] =	ssyncadd.s32 $0xFFFF8800;
	s12 =	sadd.s32 s7, s12  }
0x13b: {  	[hbm4b:s12+s3] =	stream.linear.scatter [tilespmem:s30], [sflag:$0x5], $0x7800, $0x38;
	[tilespmem:$0x1F900] =	vst v63  }
0x13c: {  	_ =	swait.ge [sflag:s0], $0x7800  }
0x13d: {  	[sflag:s0] =	ssyncset.done $0x0  }
0x13e: {  	[sflag:s0] =	ssyncadd.s32 $0xFFFF8800  }
0x13f: {  	v3 =	vld [tilespmem:s9+$0xFFFFFF90];
	_ =	sdelay $0x4  }
0x140: {  	v55 =	vshrl.u32 v3, $0x3  }
0x141: {  	v4 =	vmul.u32 $0x30, v55  }
0x142: {  	v3 =	vand.u32 $0x7, v3  }
0x143: {  	v3 =	vor.u32 v3, v4  }
0x144: {  	v4 =	vperm.xlane v3, v0;
	_ =	sdelay $0x1  }
0x145: {  	v4 =	vadd.s32 v1, v4;
	_ =	sdelay $0x3  }
0x146: {  	v3 =	vperm.xlane v3, v2  }
0x147: {  	[tilespmem:s19], [sflag:$0x2] =	stream.indirect_vreg.gather [hbm4b:s2+s3], $0x80, v4, vm0, $0xb8;
	[tilespmem:$0x1F900] =	vst v63  }
0x148: {  	v3 =	vadd.s32 v1, v3  }
0x149: {  	[tilespmem:s22], [sflag:$0x2] =	stream.indirect_vreg.gather [hbm4b:s5+s3], $0x80, v4, vm0, $0xb8;
	[tilespmem:$0x1F900] =	vst v63  }
0x14a: {  	s12 =	simm.s32 $0xA100  }
0x14b: {  	[tilespmem:s12], [sflag:$0x2] =	stream.indirect_vreg.gather [hbm4b:s6+s3], $0x80, v4, vm0, $0xb8;
	[tilespmem:$0x1F900] =	vst v63  }
0x14c: {  	s12 =	simm.s32 $0xA900  }
0x14d: {  	[tilespmem:s12], [sflag:$0x2] =	stream.indirect_vreg.gather [hbm4b:s2+s3], $0x80, v3, vm0, $0xb8;
	[tilespmem:$0x1F900] =	vst v63  }
0x14e: {  	s12 =	simm.s32 $0xB100  }
0x14f: {  	[tilespmem:s12], [sflag:$0x2] =	stream.indirect_vreg.gather [hbm4b:s5+s3], $0x80, v3, vm0, $0xb8;
	[tilespmem:$0x1F900] =	vst v63  }
0x150: {  	s12 =	simm.s32 $0xB900  }
0x151: {  	[tilespmem:s12], [sflag:$0x2] =	stream.indirect_vreg.gather [hbm4b:s6+s3], $0x80, v3, vm0, $0xb8;
	[tilespmem:$0x1F900] =	vst v63  }
0x152: {  	v3 =	vld [tilespmem:s9+$0xFFFFFFA0];
	_ =	sdelay $0x4  }
0x153: {  	v56 =	vshrl.u32 v3, $0x3  }
0x154: {  	v4 =	vmul.u32 $0x30, v56  }
0x155: {  	v3 =	vand.u32 $0x7, v3  }
0x156: {  	v3 =	vor.u32 v3, v4  }
0x157: {  	v4 =	vperm.xlane v3, v0;
	_ =	sdelay $0x1  }
0x158: {  	v4 =	vadd.s32 v1, v4;
	_ =	sdelay $0x3  }
0x159: {  	s12 =	simm.s32 $0xC100;
	v3 =	vperm.xlane v3, v2  }
0x15a: {  	[tilespmem:s12], [sflag:$0x2] =	stream.indirect_vreg.gather [hbm4b:s2+s3], $0x80, v4, vm0, $0xb8;
	[tilespmem:$0x1F900] =	vst v63  }
0x15b: {  	v3 =	vadd.s32 v1, v3;
	s12 =	simm.s32 $0xC900  }
0x15c: {  	[tilespmem:s12], [sflag:$0x2] =	stream.indirect_vreg.gather [hbm4b:s5+s3], $0x80, v4, vm0, $0xb8;
	[tilespmem:$0x1F900] =	vst v63  }
0x15d: {  	s12 =	simm.s32 $0xD100  }
0x15e: {  	[tilespmem:s12], [sflag:$0x2] =	stream.indirect_vreg.gather [hbm4b:s6+s3], $0x80, v4, vm0, $0xb8;
	[tilespmem:$0x1F900] =	vst v63  }
0x15f: {  	s12 =	simm.s32 $0xD900  }
0x160: {  	[tilespmem:s12], [sflag:$0x2] =	stream.indirect_vreg.gather [hbm4b:s2+s3], $0x80, v3, vm0, $0xb8;
	[tilespmem:$0x1F900] =	vst v63  }
0x161: {  	s12 =	simm.s32 $0xE100  }
0x162: {  	[tilespmem:s12], [sflag:$0x2] =	stream.indirect_vreg.gather [hbm4b:s5+s3], $0x80, v3, vm0, $0xb8;
	[tilespmem:$0x1F900] =	vst v63  }
0x163: {  	s12 =	simm.s32 $0xE900  }
0x164: {  	[tilespmem:s12], [sflag:$0x2] =	stream.indirect_vreg.gather [hbm4b:s6+s3], $0x80, v3, vm0, $0xb8;
	[tilespmem:$0x1F900] =	vst v63  }
0x165: {  	v3 =	vld.msk [tilespmem:s9+$0xFFFFFFB0], $0xff;
	_ =	sdelay $0x4  }
0x166: {  	v57 =	vshrl.u32 v3, $0x3  }
0x167: {  	v4 =	vmul.u32 $0x30, v57  }
0x168: {  	v3 =	vand.u32 $0x7, v3  }
0x169: {  	v3 =	vor.u32 v3, v4  }
0x16a: {  	v3 =	vperm.xlane v3, v0;
	_ =	sdelay $0x1  }
0x16b: {  	v3 =	vadd.s32 v1, v3;
	_ =	sdelay $0x3  }
0x16c: {  	s12 =	simm.s32 $0xF100  }
0x16d: {  	[tilespmem:s12], [sflag:$0x2] =	stream.indirect_vreg.gather [hbm4b:s2+s3], $0x80, v3, vm0, $0xb8;
	[tilespmem:$0x1F900] =	vst v63  }
0x16e: {  	s12 =	simm.s32 $0xF900  }
0x16f: {  	[tilespmem:s12], [sflag:$0x2] =	stream.indirect_vreg.gather [hbm4b:s5+s3], $0x80, v3, vm0, $0xb8;
	[tilespmem:$0x1F900] =	vst v63  }
0x170: {  	s12 =	simm.s32 $0x10100  }
0x171: {  	[tilespmem:s12], [sflag:$0x2] =	stream.indirect_vreg.gather [hbm4b:s6+s3], $0x80, v3, vm0, $0xb8;
	[tilespmem:$0x1F900] =	vst v63  }
0x172: {  	_ =	swait.ge [sflag:s18], $0x7800  }
0x173: {  	s12 =	rddreg [dreg:$0x5];
	[sflag:s18] =	ssyncset.done $0x0  }
0x174: {  	[sflag:s18] =	ssyncadd.s32 $0xFFFF8800;
	s12 =	sadd.s32 s7, s12  }
0x175: {  	[hbm4b:s12+s3] =	stream.linear.scatter [tilespmem:s19], [sflag:$0x6], $0x7800, $0x38;
	[tilespmem:$0x1F900] =	vst v63  }
0x176: {  	_ =	swait.ge [sflag:s4], $0x7800  }
0x177: {  	[sflag:s4] =	ssyncset.done $0x0  }
0x178: {  	[sflag:s4] =	ssyncadd.s32 $0xFFFF8800  }
0x179: {  	v3 =	vld [tilespmem:s9+$0xFFFFFFB8];
	_ =	sdelay $0x4  }
0x17a: {  	v58 =	vshrl.u32 v3, $0x3  }
0x17b: {  	v4 =	vmul.u32 $0x30, v58  }
0x17c: {  	v3 =	vand.u32 $0x7, v3  }
0x17d: {  	v3 =	vor.u32 v3, v4  }
0x17e: {  	v4 =	vperm.xlane v3, v0;
	_ =	sdelay $0x1  }
0x17f: {  	v4 =	vadd.s32 v1, v4;
	_ =	sdelay $0x3  }
0x180: {  	v3 =	vperm.xlane v3, v2  }
0x181: {  	[tilespmem:s26], [sflag:$0x3] =	stream.indirect_vreg.gather [hbm4b:s2+s3], $0x80, v4, vm0, $0xb8;
	[tilespmem:$0x1F900] =	vst v63  }
0x182: {  	s12 =	simm.s32 $0x11100;
	v3 =	vadd.s32 v1, v3  }
0x183: {  	[tilespmem:s12], [sflag:$0x3] =	stream.indirect_vreg.gather [hbm4b:s5+s3], $0x80, v4, vm0, $0xb8;
	[tilespmem:$0x1F900] =	vst v63  }
0x184: {  	s12 =	simm.s32 $0x11900  }
0x185: {  	[tilespmem:s12], [sflag:$0x3] =	stream.indirect_vreg.gather [hbm4b:s6+s3], $0x80, v4, vm0, $0xb8;
	[tilespmem:$0x1F900] =	vst v63  }
0x186: {  	s12 =	simm.s32 $0x12100  }
0x187: {  	[tilespmem:s12], [sflag:$0x3] =	stream.indirect_vreg.gather [hbm4b:s2+s3], $0x80, v3, vm0, $0xb8;
	[tilespmem:$0x1F900] =	vst v63  }
0x188: {  	s12 =	simm.s32 $0x12900  }
0x189: {  	[tilespmem:s12], [sflag:$0x3] =	stream.indirect_vreg.gather [hbm4b:s5+s3], $0x80, v3, vm0, $0xb8;
	[tilespmem:$0x1F900] =	vst v63  }
0x18a: {  	s12 =	simm.s32 $0x13100  }
0x18b: {  	[tilespmem:s12], [sflag:$0x3] =	stream.indirect_vreg.gather [hbm4b:s6+s3], $0x80, v3, vm0, $0xb8;
	[tilespmem:$0x1F900] =	vst v63  }
0x18c: {  	v3 =	vld [tilespmem:s9+$0xFFFFFFC8];
	_ =	sdelay $0x4  }
0x18d: {  	v59 =	vshrl.u32 v3, $0x3  }
0x18e: {  	v4 =	vmul.u32 $0x30, v59  }
0x18f: {  	v3 =	vand.u32 $0x7, v3  }
0x190: {  	v3 =	vor.u32 v3, v4  }
0x191: {  	v4 =	vperm.xlane v3, v0;
	_ =	sdelay $0x1  }
0x192: {  	v4 =	vadd.s32 v1, v4;
	_ =	sdelay $0x3  }
0x193: {  	s12 =	simm.s32 $0x13900;
	v3 =	vperm.xlane v3, v2  }
0x194: {  	[tilespmem:s12], [sflag:$0x3] =	stream.indirect_vreg.gather [hbm4b:s2+s3], $0x80, v4, vm0, $0xb8;
	[tilespmem:$0x1F900] =	vst v63  }
0x195: {  	v3 =	vadd.s32 v1, v3;
	s12 =	simm.s32 $0x14100  }
0x196: {  	[tilespmem:s12], [sflag:$0x3] =	stream.indirect_vreg.gather [hbm4b:s5+s3], $0x80, v4, vm0, $0xb8;
	[tilespmem:$0x1F900] =	vst v63  }
0x197: {  	s12 =	simm.s32 $0x14900  }
0x198: {  	[tilespmem:s12], [sflag:$0x3] =	stream.indirect_vreg.gather [hbm4b:s6+s3], $0x80, v4, vm0, $0xb8;
	[tilespmem:$0x1F900] =	vst v63  }
0x199: {  	s12 =	simm.s32 $0x15100  }
0x19a: {  	[tilespmem:s12], [sflag:$0x3] =	stream.indirect_vreg.gather [hbm4b:s2+s3], $0x80, v3, vm0, $0xb8;
	[tilespmem:$0x1F900] =	vst v63  }
0x19b: {  	s12 =	simm.s32 $0x15900  }
0x19c: {  	[tilespmem:s12], [sflag:$0x3] =	stream.indirect_vreg.gather [hbm4b:s5+s3], $0x80, v3, vm0, $0xb8;
	[tilespmem:$0x1F900] =	vst v63  }
0x19d: {  	s12 =	simm.s32 $0x16100  }
0x19e: {  	[tilespmem:s12], [sflag:$0x3] =	stream.indirect_vreg.gather [hbm4b:s6+s3], $0x80, v3, vm0, $0xb8;
	[tilespmem:$0x1F900] =	vst v63  }
0x19f: {  	v3 =	vld.msk [tilespmem:s9+$0xFFFFFFD8], $0xff;
	_ =	sdelay $0x4  }
0x1a0: {  	v60 =	vshrl.u32 v3, $0x3  }
0x1a1: {  	v4 =	vmul.u32 $0x30, v60  }
0x1a2: {  	v3 =	vand.u32 $0x7, v3  }
0x1a3: {  	v3 =	vor.u32 v3, v4  }
0x1a4: {  	v3 =	vperm.xlane v3, v0;
	_ =	sdelay $0x1  }
0x1a5: {  	v3 =	vadd.s32 v1, v3;
	_ =	sdelay $0x3  }
0x1a6: {  	s12 =	simm.s32 $0x16900  }
0x1a7: {  	[tilespmem:s12], [sflag:$0x3] =	stream.indirect_vreg.gather [hbm4b:s2+s3], $0x80, v3, vm0, $0xb8;
	[tilespmem:$0x1F900] =	vst v63  }
0x1a8: {  	s12 =	simm.s32 $0x17100  }
0x1a9: {  	[tilespmem:s12], [sflag:$0x3] =	stream.indirect_vreg.gather [hbm4b:s5+s3], $0x80, v3, vm0, $0xb8;
	[tilespmem:$0x1F900] =	vst v63  }
0x1aa: {  	s12 =	simm.s32 $0x17900  }
0x1ab: {  	[tilespmem:s12], [sflag:$0x3] =	stream.indirect_vreg.gather [hbm4b:s6+s3], $0x80, v3, vm0, $0xb8;
	[tilespmem:$0x1F900] =	vst v63  }
0x1ac: {  	_ =	swait.ge [sflag:s10], $0x7800  }
0x1ad: {  	s12 =	rddreg [dreg:$0x7];
	[sflag:s10] =	ssyncset.done $0x0  }
0x1ae: {  	[sflag:s10] =	ssyncadd.s32 $0xFFFF8800;
	s12 =	sadd.s32 s7, s12  }
0x1af: {  	[hbm4b:s12+s3] =	stream.linear.scatter [tilespmem:s26], [sflag:$0x7], $0x7800, $0x38;
	[tilespmem:$0x1F900] =	vst v63  }
0x1b0: {  	_ =	swait.ge [sflag:s8], $0x7800  }
0x1b1: {  	[sflag:s8] =	ssyncset.done $0x0  }
0x1b2: {  	[sflag:s8] =	ssyncadd.s32 $0xFFFF8800  }
0x1b3: {  	v3 =	vld [tilespmem:s9+$0xFFFFFFE0];
	_ =	sdelay $0x4  }
0x1b4: {  	v61 =	vshrl.u32 v3, $0x3  }
0x1b5: {  	v4 =	vmul.u32 $0x30, v61  }
0x1b6: {  	v3 =	vand.u32 $0x7, v3  }
0x1b7: {  	v3 =	vor.u32 v3, v4  }
0x1b8: {  	v4 =	vperm.xlane v3, v0;
	_ =	sdelay $0x1  }
0x1b9: {  	v4 =	vadd.s32 v1, v4;
	_ =	sdelay $0x3  }
0x1ba: {  	v3 =	vperm.xlane v3, v2  }
0x1bb: {  	[tilespmem:s11], [sflag:$0x4] =	stream.indirect_vreg.gather [hbm4b:s2+s3], $0x80, v4, vm0, $0xb8;
	[tilespmem:$0x1F900] =	vst v63  }
0x1bc: {  	s12 =	simm.s32 $0x18900;
	v3 =	vadd.s32 v1, v3  }
0x1bd: {  	[tilespmem:s12], [sflag:$0x4] =	stream.indirect_vreg.gather [hbm4b:s5+s3], $0x80, v4, vm0, $0xb8;
	[tilespmem:$0x1F900] =	vst v63  }
0x1be: {  	s12 =	simm.s32 $0x19100  }
0x1bf: {  	[tilespmem:s12], [sflag:$0x4] =	stream.indirect_vreg.gather [hbm4b:s6+s3], $0x80, v4, vm0, $0xb8;
	[tilespmem:$0x1F900] =	vst v63  }
0x1c0: {  	s12 =	simm.s32 $0x19900  }
0x1c1: {  	[tilespmem:s12], [sflag:$0x4] =	stream.indirect_vreg.gather [hbm4b:s2+s3], $0x80, v3, vm0, $0xb8;
	[tilespmem:$0x1F900] =	vst v63  }
0x1c2: {  	s12 =	simm.s32 $0x1A100  }
0x1c3: {  	[tilespmem:s12], [sflag:$0x4] =	stream.indirect_vreg.gather [hbm4b:s5+s3], $0x80, v3, vm0, $0xb8;
	[tilespmem:$0x1F900] =	vst v63  }
0x1c4: {  	s12 =	simm.s32 $0x1A900  }
0x1c5: {  	[tilespmem:s12], [sflag:$0x4] =	stream.indirect_vreg.gather [hbm4b:s6+s3], $0x80, v3, vm0, $0xb8;
	[tilespmem:$0x1F900] =	vst v63  }
0x1c6: {  	v3 =	vld [tilespmem:s9+$0xFFFFFFF0];
	_ =	sdelay $0x4  }
0x1c7: {  	v62 =	vshrl.u32 v3, $0x3  }
0x1c8: {  	v4 =	vmul.u32 $0x30, v62  }
0x1c9: {  	v3 =	vand.u32 $0x7, v3  }
0x1ca: {  	v3 =	vor.u32 v3, v4  }
0x1cb: {  	v4 =	vperm.xlane v3, v0;
	_ =	sdelay $0x1  }
0x1cc: {  	v4 =	vadd.s32 v1, v4;
	_ =	sdelay $0x3  }
0x1cd: {  	s12 =	simm.s32 $0x1B100;
	v3 =	vperm.xlane v3, v2  }
0x1ce: {  	[tilespmem:s12], [sflag:$0x4] =	stream.indirect_vreg.gather [hbm4b:s2+s3], $0x80, v4, vm0, $0xb8;
	[tilespmem:$0x1F900] =	vst v63  }
0x1cf: {  	v3 =	vadd.s32 v1, v3;
	s12 =	simm.s32 $0x1B900  }
0x1d0: {  	[tilespmem:s12], [sflag:$0x4] =	stream.indirect_vreg.gather [hbm4b:s5+s3], $0x80, v4, vm0, $0xb8;
	[tilespmem:$0x1F900] =	vst v63  }
0x1d1: {  	s12 =	simm.s32 $0x1C100  }
0x1d2: {  	[tilespmem:s12], [sflag:$0x4] =	stream.indirect_vreg.gather [hbm4b:s6+s3], $0x80, v4, vm0, $0xb8;
	[tilespmem:$0x1F900] =	vst v63  }
0x1d3: {  	s12 =	simm.s32 $0x1C900  }
0x1d4: {  	[tilespmem:s12], [sflag:$0x4] =	stream.indirect_vreg.gather [hbm4b:s2+s3], $0x80, v3, vm0, $0xb8;
	[tilespmem:$0x1F900] =	vst v63  }
0x1d5: {  	s12 =	simm.s32 $0x1D100  }
0x1d6: {  	[tilespmem:s12], [sflag:$0x4] =	stream.indirect_vreg.gather [hbm4b:s5+s3], $0x80, v3, vm0, $0xb8;
	[tilespmem:$0x1F900] =	vst v63  }
0x1d7: {  	s12 =	simm.s32 $0x1D900  }
0x1d8: {  	[tilespmem:s12], [sflag:$0x4] =	stream.indirect_vreg.gather [hbm4b:s6+s3], $0x80, v3, vm0, $0xb8;
	[tilespmem:$0x1F900] =	vst v63  }
0x1d9: {  	v3 =	vld.msk [tilespmem:s9+$0x0], $0xff;
	_ =	sdelay $0x4  }
0x1da: {  	v63 =	vshrl.u32 v3, $0x3  }
0x1db: {  	v4 =	vmul.u32 $0x30, v63  }
0x1dc: {  	v3 =	vand.u32 $0x7, v3  }
0x1dd: {  	v3 =	vor.u32 v3, v4  }
0x1de: {  	v3 =	vperm.xlane v3, v0;
	_ =	sdelay $0x1  }
0x1df: {  	v3 =	vadd.s32 v1, v3;
	_ =	sdelay $0x3  }
0x1e0: {  	p0 =	sne.s32 s7, $0x8E800  }
0x1e1: {  	[tilespmem:s13], [sflag:$0x4] =	stream.indirect_vreg.gather [hbm4b:s2+s3], $0x80, v3, vm0, $0xb8;
	[tilespmem:$0x1F900] =	vst v63  }
.Ltmp0:
0x1e2: {  	_ = 	snop;
	(pc) =	sbr.rel @p0 .LBB2_2-.Ltmp0, $4  }
0x1e3: {  	_ = 	snop  }
0x1e4: {  	[tilespmem:s14], [sflag:$0x4] =	stream.indirect_vreg.gather [hbm4b:s5+s3], $0x80, v3, vm0, $0xb8;
	[tilespmem:$0x1F900] =	vst v63  }
0x1e5: {  	s7 =	sadd.s32 $0x3C00, s7;
	s9 =	sadd.s32 $0xA0, s9  }
0x1e6: {  	[tilespmem:s20], [sflag:$0x4] =	stream.indirect_vreg.gather [hbm4b:s6+s3], $0x80, v3, vm0, $0xb8;
	[tilespmem:$0x1F900] =	vst v63  }
0x1e7: {  	_ =	swait.ge [sflag:s31], $0x7800  }
0x1e8: {  	[sflag:s31] =	ssyncset.done $0x0  }
0x1e9: {  	s7 =	rddreg [dreg:$0xc];
	[sflag:s31] =	ssyncadd.s32 $0xFFFF8800  }
0x1ea: {  	[hbm4b:s7+s3] =	stream.linear.scatter [tilespmem:s11], [sflag:$0x8], $0x7800, $0x38;
	[tilespmem:$0x1F900] =	vst v63  }
0x1eb: {  	_ =	swait.ge [sflag:s1], $0x7800  }
0x1ec: {  	[sflag:s1] =	ssyncset.done $0x0  }
0x1ed: {  	[sflag:s1] =	ssyncadd.s32 $0xFFFF8800  }
0x1ee: {  	_ =	swait.ge [sflag:s0], $0x7800  }
0x1ef: {  	[sflag:s0] =	ssyncset.done $0x0  }
0x1f0: {  	[sflag:s0] =	ssyncadd.s32 $0xFFFF8800  }
0x1f1: {  	_ =	swait.ge [sflag:s4], $0x7800  }
0x1f2: {  	[sflag:s4] =	ssyncset.done $0x0  }
0x1f3: {  	[sflag:s4] =	ssyncadd.s32 $0xFFFF8800  }
0x1f4: {  	s12 =	simm.s32 $0x2900;
	_ =	swait.ge [sflag:s8], $0x7800  }
0x1f5: {  	s14 =	simm.s32 $0x3100;
	s15 =	simm.s32 $0x3900;
	s9 =	rddreg [dreg:$0xe]  }
0x1f6: {  	s16 =	simm.s32 $0x4100;
	s26 =	rddreg [dreg:$0xd];
	s9 =	sadd.s32 $0x1, s9  }
0x1f7: {  	s17 =	simm.s32 $0x4900;
	s20 =	simm.s32 $0x5100;
	p0 =	sne.s32 s9, s26  }
.Ltmp1:
0x1f8: {  	s21 =	simm.s32 $0x5900;
	s22 =	simm.s32 $0x6100;
	(pc) =	sbr.rel @p0 .LBB2_1-.Ltmp1, $4  }
0x1f9: {  	s23 =	simm.s32 $0x6900;
	s24 =	simm.s32 $0x7100;
	s25 =	simm.s32 $0x7900  }
0x1fa: {  	s13 =	simm.s32 $0x8100;
	s19 =	simm.s32 $0x9100;
	[sflag:s8] =	ssyncset.done $0x0  }
0x1fb: {  	s28 =	simm.s32 $0x8900;
	s30 =	simm.s32 $0x9900;
	[sflag:s8] =	ssyncadd.s32 $0xFFFF8800  }
0x1fc: {  	[dreg:$0xe] =	wrdreg s9;
	s9 =	simm.s32 $0x2100;
	s26 =	simm.s32 $0x1900  }
0x1fd: {  	_ =	sfence.sel $0x180000  }
0x1fe: {  	[bflag:$0x0] =	sbarrier.arrive $0xFFFF  }
0x1ff: {  	_ =	strace $0x90000047  }
0x200: {  	s0 =	stileid.u32;
	[bflag:$0x2] =	sbarrier.arrive $0xFFFF  }
0x201: {  	p0 =	sne.s32 s0, $0x0;
	s0 =	rddreg [dreg:$0x3]  }
0x202: {  	s0 =	sadd.s32 @!p0 $0x100000, s0  }
0x203: {  	[sflag:s0] =	ssyncadd.tile.s32 @!p0 $0x1;
	_ =	shalt  }
.Lfunc_end2:
_tile_overlayer_lowered:
.L_overlay_start_2:
0x204: {  	(tag) =	ssettag $0x2  }
0x205: {  	s0 =	rddreg [dreg:$0x0];
	s2 =	stileid.u32  }
0x206: {  	s1 =	rddreg [dreg:$0x1];
	p0 =	sne.s32 s2, $0x0  }
0x207: {  	s3 =	rddreg [dreg:$0x2];
	[bflag:$0x3] =	sbarrier.arrive $0xFFFF;
	s2 =	simm.s32 @!p0 $0x1C09  }
0x208: {  	[timem:s3], [sflag:s2] =	dma.local @!p0 [hbm:s0], s1  }
0x209: {  	s0 =	simm.s32 @!p0 $0x9  }
0x20a: {  	_ =	swait.ge @!p0 [sflag:s0], s1  }
0x20b: {  	s1 =	ssub.s32 @!p0 $0x0, s1;
	[sflag:s0] =	ssyncset.done @!p0 $0x0  }
0x20c: {  	[sflag:s0] =	ssyncadd.s32 @!p0 s1  }
0x20d: {  	[bflag:$0x3] =	sbarrier.arrive $0xFFFF  }
0x20e: {  	_ =	shalt  }

</sc_bundles>
